<compile_context>
chip_gen: v7x
topology: tpu7x:2x2x1
jax: 0.10.2.dev20260603
libtpu: 0.0.44.dev20260713+nightly
codegen_flags: <defaults>
</compile_context>

<pallas_src>
import functools

import numpy as np
import jax
import jax.numpy as jnp
from jax import lax
from jax.experimental import pallas as pl
from jax.experimental.pallas import tpu as pltpu
from jax.experimental.pallas import tpu_sc as plsc

_K = 3
_D = 100
_M1 = 0.05
_M2 = 0.25
_REG = 10.0

_SLAB = 128
_NW = 32
_TC_BLOCK = 8192
_TC_BLOCKS = 10


def _hinge(d):
    return jnp.maximum(_M1 - d, 0.0) + jnp.maximum(d - _M2, 0.0)


def _band_matrix():
    w = np.zeros((_K, _K * _D), np.float32)
    for p in range(_K):
        w[p, p * _D:(p + 1) * _D] = 1.0
    return w


def _tc_body(x_ref, w_ref, o_ref, *, grid, scale):
    i = pl.program_id(0)
    x = x_ref[...]
    r = jnp.roll(x, -_D, axis=0)
    z = (x - r) ** 2
    d = jax.lax.dot_general(w_ref[...], z, (((1,), (0,)), ((), ())),
                            preferred_element_type=jnp.float32)
    h = _hinge(d)
    s = jnp.sum(h)

    @pl.when(i == 0)
    def _init():
        o_ref[0, 0] = 0.0

    o_ref[0, 0] += s

    @pl.when(i == grid - 1)
    def _fin():
        o_ref[0, 0] *= scale


def kernel(user_ids, pos_ids, neg_ids, user_emb, item_emb):
    n, kd = user_emb.shape
    xt = user_emb.T
    scale = 2.0 * _REG / (n * _K * _K)
    c0 = _TC_BLOCKS * _TC_BLOCK
    slab0 = c0 // _SLAB
    nslabs = n // _SLAB
    tail = n - nslabs * _SLAB
    mesh = plsc.VectorSubcoreMesh(core_axis_name="c", subcore_axis_name="s")

    @functools.partial(
        pl.kernel,
        mesh=mesh,
        out_type=jax.ShapeDtypeStruct((_NW, 16), jnp.float32),
        scratch_types=[
            pltpu.VMEM((kd, _SLAB), jnp.float32),
            pltpu.VMEM((kd, 32), jnp.float32),
            pltpu.VMEM((16,), jnp.float32),
        ],
    )
    def sck(xt_hbm, out_hbm, buf, buft, accv):
        c = lax.axis_index("c")
        s = lax.axis_index("s")
        wid = s * 2 + c
        accv[...] = jnp.zeros((16,), jnp.float32)
        nj = (nslabs - slab0 + _NW - 1) // _NW

        def lane_groups(b, width):
            for l in range(width // 16):
                def row_body(r, carry):
                    d01, d12, d20 = carry
                    v0 = b[r, pl.ds(l * 16, 16)]
                    v1 = b[r + _D, pl.ds(l * 16, 16)]
                    v2 = b[r + 2 * _D, pl.ds(l * 16, 16)]
                    e0 = v0 - v1
                    e1 = v1 - v2
                    e2 = v2 - v0
                    return (d01 + e0 * e0, d12 + e1 * e1, d20 + e2 * e2)

                z = jnp.zeros((16,), jnp.float32)
                d01, d12, d20 = lax.fori_loop(0, _D, row_body, (z, z, z))
                accv[...] = (accv[...]
                             + _hinge(d01) + _hinge(d12) + _hinge(d20))

        def slab_body(j, _):
            sl = slab0 + wid + j * _NW

            @pl.when(sl < nslabs)
            def _do():
                pltpu.sync_copy(xt_hbm.at[:, pl.ds(sl * _SLAB, _SLAB)], buf)
                lane_groups(buf, _SLAB)
            return ()

        lax.fori_loop(0, nj, slab_body, ())

        if tail:
            @pl.when(wid == _NW - 1)
            def _tail():
                pltpu.sync_copy(xt_hbm.at[:, pl.ds(nslabs * _SLAB, tail)],
                                buft)
                lane_groups(buft, tail)

        accv[...] = accv[...] * scale
        pltpu.sync_copy(accv, out_hbm.at[wid])

    total = jnp.sum(sck(xt))

    if _TC_BLOCKS:
        wmat = jnp.asarray(_band_matrix(), dtype=jnp.float32)
        tc_out = pl.pallas_call(
            functools.partial(_tc_body, grid=_TC_BLOCKS, scale=scale),
            grid=(_TC_BLOCKS,),
            in_specs=[
                pl.BlockSpec((kd, _TC_BLOCK), lambda i: (0, i)),
                pl.BlockSpec(wmat.shape, lambda i: (0, 0)),
            ],
            out_specs=pl.BlockSpec((1, 1), lambda i: (0, 0),
                                   memory_space=pltpu.SMEM),
            out_shape=jax.ShapeDtypeStruct((1, 1), jnp.float32),
        )(xt, wmat)
        total = total + tc_out[0, 0]
    return total

# --- scband reference (transcript-rebuilt; emitter-appended) ---
"""Pipeline reference for scband-cml-52261162058003 (READ-ONLY COPY).

The authoritative reference and input builder live on the scoring server;
editing this copy changes nothing except your own understanding.
"""

import jax, jax.numpy as jnp
import numpy as np

NUM_USERS = 100000
NUM_ITEMS = 100000
DIM = 100
K = 3
REG = 10.0
M1 = 0.05
M2 = 0.25
BATCH = 4096


def setup_inputs(seed: int = 0) -> dict:
    key = jax.random.key(seed)
    k1, k2, k3, k4, k5 = jax.random.split(key, 5)
    user_ids = jax.random.randint(k1, (BATCH,), 0, NUM_USERS, dtype=jnp.int64 if jax.config.jax_enable_x64 else jnp.int32).astype(jnp.int32)
    pos_ids = jax.random.randint(k2, (BATCH,), 0, NUM_ITEMS).astype(jnp.int32)
    neg_ids = jax.random.randint(k3, (BATCH,), 0, NUM_ITEMS).astype(jnp.int32)
    # learned parameters, initialized as in the torch module
    user_emb = jax.random.normal(k4, (NUM_USERS, K * DIM), dtype=jnp.float32) * 0.01
    item_emb = jax.random.normal(k5, (NUM_ITEMS, DIM), dtype=jnp.float32) * (1.0 / DIM ** 0.5)
    return {"user_ids": user_ids, "pos_ids": pos_ids, "neg_ids": neg_ids,
            "user_emb": user_emb, "item_emb": item_emb}


def _dcrs(user_emb):
    ue = user_emb.reshape(NUM_USERS, K, DIM)
    u1 = ue[:, :, None, :]   # [N, K, 1, D]
    u2 = ue[:, None, :, :]   # [N, 1, K, D]
    diversity = jnp.square(u1 - u2).sum(-1)  # [N, K, K]
    mask = (1.0 - jnp.eye(K, dtype=user_emb.dtype))[None]  # [1, K, K]
    return (jax.nn.relu((M1 - diversity) * mask).mean()
            + jax.nn.relu((diversity - M2) * mask).mean())


def reference(user_ids, pos_ids, neg_ids, user_emb, item_emb):
    # preference_loss in the original module is an unimplemented stub (returns None);
    # faithful runnable translation treats it as 0.
    loss = jnp.asarray(0.0, dtype=user_emb.dtype)
    # reg=10 (truthy) and m1 < m2, so DCRS term is applied
    loss = loss + REG * _dcrs(user_emb)
    return loss

if __name__ == "__main__":
    import jax
    _d = setup_inputs()
    print(jax.jit(kernel)(*tuple(_d.values())))

</pallas_src>

<mosaic_0001>
#map = affine_map<(d0, d1) -> (0, 0)>
module attributes {stable_mosaic.version = 14 : i64} {
  func.func @sck(%arg0: i32, %arg1: i32, %arg2: memref<300x100000xf32, #tpu.memory_space<hbm>>, %arg3: memref<32x16xf32, #tpu.memory_space<hbm>>, %arg4: memref<300x128xf32, #tpu.memory_space<vmem>>, %arg5: memref<300x32xf32, #tpu.memory_space<vmem>>, %arg6: memref<16xf32, #tpu.memory_space<vmem>>) attributes {dimension_semantics = [#tpu.dimension_semantics<core_parallel>, #tpu.dimension_semantics<subcore_parallel>], iteration_bounds = array<i64: 2, 16>, scalar_prefetch = 0 : i64, scratch_operands = 3 : i64, tpu.core_type = #tpu.core_type<sc_vector_subcore>, window_params = [{transform_indices = #map}, {transform_indices = #map}]} {
    %mul3A = arith.constant 2 : i32
    %mul3A_0 = arith.muli %arg1, %mul3A : i32
    %add3A = arith.addi %mul3A_0, %arg0 : i32
    %broadcast_in_dim3A = arith.constant 0.000000e+00 : f32
    %broadcast_in_dim3A_1 = vector.broadcast %broadcast_in_dim3A : f32 to vector<16xf32>
    %swap3A = arith.constant 0 : index
    %swap3A_2 = tpu.vector_load %arg6[%swap3A] {strides = array<i32>} : memref<16xf32, #tpu.memory_space<vmem>>, vector<16xf32>,
    %swap3A_3 = vector.shape_cast %swap3A_2 : vector<16xf32> to vector<16xf32>
    %swap3A_4 = vector.shape_cast %broadcast_in_dim3A_1 : vector<16xf32> to vector<16xf32>
    tpu.vector_store %arg6[%swap3A], %swap3A_4 {strides = array<i32>} : memref<16xf32, #tpu.memory_space<vmem>>, vector<16xf32>,
    %scan3A = arith.constant 0 : i32
    %scan3A_5 = arith.constant 5 : i32
    %scan3A_6 = arith.addi %scan3A, %scan3A_5 : i32
    %scan3A_7 = arith.constant 1 : i32
    scf.for %scan3A_20 = %scan3A to %scan3A_6 step %scan3A_7  : i32 {
      %add3A_21 = arith.constant 640 : i32
      %add3A_22 = arith.addi %add3A_21, %add3A : i32
      %mul3A_23 = arith.constant 32 : i32
      %mul3A_24 = arith.muli %scan3A_20, %mul3A_23 : i32
      %add3A_25 = arith.addi %add3A_22, %mul3A_24 : i32
      %lt3A = arith.constant 781 : i32
      %lt3A_26 = arith.cmpi slt, %add3A_25, %lt3A : i32
      %convert_element_type3A_27 = arith.extui %lt3A_26 : i1 to i32
      %cond3A_28 = arith.constant 0 : i32
      %cond3A_29 = arith.cmpi ne, %convert_element_type3A_27, %cond3A_28 : i32
      scf.if %cond3A_29 {
        %mul3A_30 = arith.constant 128 : i32
        %mul3A_31 = arith.muli %add3A_25, %mul3A_30 : i32
        "tpu.region"() ({
          %run_scoped3A = tpu.sem_alloc : memref<!tpu.dma_semaphore, #tpu.memory_space<semaphore_mem>>
          %dma_start3A = arith.constant 0 : i32
          %dma_start3A_486 = tpu.memref_slice %arg2[%dma_start3A, %mul3A_31] : memref<300x100000xf32, #tpu.memory_space<hbm>> -> memref<300x128xf32, #tpu.memory_space<hbm>>
          %dma_start3A_487 = arith.constant 0 : i32
          %dma_start3A_488 = tpu.memref_slice %arg2[%dma_start3A_487, %mul3A_31] : memref<300x100000xf32, #tpu.memory_space<hbm>> -> memref<300x128xf32, #tpu.memory_space<hbm>>
          tpu.enqueue_dma source(%dma_start3A_488 : memref<300x128xf32, #tpu.memory_space<hbm>>) target(%arg4 : memref<300x128xf32, #tpu.memory_space<vmem>>) target_semaphore(%run_scoped3A : memref<!tpu.dma_semaphore, #tpu.memory_space<semaphore_mem>>)
          %dma_wait3A = arith.constant 0 : i32
          %dma_wait3A_489 = tpu.memref_slice %arg2[%dma_wait3A, %mul3A_31] : memref<300x100000xf32, #tpu.memory_space<hbm>> -> memref<300x128xf32, #tpu.memory_space<hbm>>
          %dma_wait3A_490 = arith.constant 0 : i32
          %dma_wait3A_491 = tpu.memref_slice %arg2[%dma_wait3A_490, %mul3A_31] : memref<300x100000xf32, #tpu.memory_space<hbm>> -> memref<300x128xf32, #tpu.memory_space<hbm>>
          tpu.wait_dma2 semaphore(%run_scoped3A : memref<!tpu.dma_semaphore, #tpu.memory_space<semaphore_mem>>) src(%dma_wait3A_491 : memref<300x128xf32, #tpu.memory_space<hbm>>) dst(%arg4 : memref<300x128xf32, #tpu.memory_space<vmem>>)
          tpu.yield
        }) : () -> ()
        %broadcast_in_dim3A_32 = arith.constant 0.000000e+00 : f32
        %broadcast_in_dim3A_33 = vector.broadcast %broadcast_in_dim3A_32 : f32 to vector<16xf32>
        %scan3A_34 = arith.constant 0 : i32
        %scan3A_35 = arith.constant 100 : i32
        %scan3A_36 = arith.addi %scan3A_34, %scan3A_35 : i32
        %scan3A_37 = arith.constant 1 : i32
        %scan3A_38:3 = scf.for %scan3A_486 = %scan3A_34 to %scan3A_36 step %scan3A_37 iter_args(%scan3A_487 = %broadcast_in_dim3A_33, %scan3A_488 = %broadcast_in_dim3A_33, %scan3A_489 = %broadcast_in_dim3A_33) -> (vector<16xf32>, vector<16xf32>, vector<16xf32>)  : i32 {
          %get3A_490 = arith.index_cast %scan3A_486 : i32 to index
          %get3A_491 = arith.constant 0 : index
          %get3A_492 = tpu.vector_load %arg4[%get3A_490, %get3A_491] {strides = array<i32>} : memref<300x128xf32, #tpu.memory_space<vmem>>, vector<1x16xf32>,
          %get3A_493 = vector.shape_cast %get3A_492 : vector<1x16xf32> to vector<16xf32>
          %add3A_494 = arith.constant 100 : i32
          %add3A_495 = arith.addi %scan3A_486, %add3A_494 : i32
          %get3A_496 = arith.index_cast %add3A_495 : i32 to index
          %get3A_497 = arith.constant 0 : index
          %get3A_498 = tpu.vector_load %arg4[%get3A_496, %get3A_497] {strides = array<i32>} : memref<300x128xf32, #tpu.memory_space<vmem>>, vector<1x16xf32>,
          %get3A_499 = vector.shape_cast %get3A_498 : vector<1x16xf32> to vector<16xf32>
          %add3A_500 = arith.constant 200 : i32
          %add3A_501 = arith.addi %scan3A_486, %add3A_500 : i32
          %get3A_502 = arith.index_cast %add3A_501 : i32 to index
          %get3A_503 = arith.constant 0 : index
          %get3A_504 = tpu.vector_load %arg4[%get3A_502, %get3A_503] {strides = array<i32>} : memref<300x128xf32, #tpu.memory_space<vmem>>, vector<1x16xf32>,
          %get3A_505 = vector.shape_cast %get3A_504 : vector<1x16xf32> to vector<16xf32>
          %sub3A_506 = arith.subf %get3A_493, %get3A_499 : vector<16xf32>
          %sub3A_507 = arith.subf %get3A_499, %get3A_505 : vector<16xf32>
          %sub3A_508 = arith.subf %get3A_505, %get3A_493 : vector<16xf32>
          %mul3A_509 = arith.mulf %sub3A_506, %sub3A_506 : vector<16xf32>
          %add3A_510 = arith.addf %scan3A_487, %mul3A_509 : vector<16xf32>
          %mul3A_511 = arith.mulf %sub3A_507, %sub3A_507 : vector<16xf32>
          %add3A_512 = arith.addf %scan3A_488, %mul3A_511 : vector<16xf32>
          %mul3A_513 = arith.mulf %sub3A_508, %sub3A_508 : vector<16xf32>
          %add3A_514 = arith.addf %scan3A_489, %mul3A_513 : vector<16xf32>
          scf.yield %add3A_510, %add3A_512, %add3A_514 : vector<16xf32>, vector<16xf32>, vector<16xf32>
        }
        %scan3A_39 = arith.constant 100 : i32
        %get3A_40 = arith.constant 0 : index
        %get3A_41 = tpu.vector_load %arg6[%get3A_40] {strides = array<i32>} : memref<16xf32, #tpu.memory_space<vmem>>, vector<16xf32>,
        %get3A_42 = vector.shape_cast %get3A_41 : vector<16xf32> to vector<16xf32>
        %sub3A = arith.constant 5.000000e-02 : f32
        %sub3A_43 = vector.broadcast %sub3A : f32 to vector<16xf32>
        %sub3A_44 = arith.subf %sub3A_43, %scan3A_38#0 : vector<16xf32>
        %max3A = arith.constant 0.000000e+00 : f32
        %max3A_45 = vector.broadcast %max3A : f32 to vector<16xf32>
        %max3A_46 = arith.maximumf %sub3A_44, %max3A_45 : vector<16xf32>
        %sub3A_47 = arith.constant 2.500000e-01 : f32
        %sub3A_48 = vector.broadcast %sub3A_47 : f32 to vector<16xf32>
        %sub3A_49 = arith.subf %scan3A_38#0, %sub3A_48 : vector<16xf32>
        %max3A_50 = arith.constant 0.000000e+00 : f32
        %max3A_51 = vector.broadcast %max3A_50 : f32 to vector<16xf32>
        %max3A_52 = arith.maximumf %sub3A_49, %max3A_51 : vector<16xf32>
        %add3A_53 = arith.addf %max3A_46, %max3A_52 : vector<16xf32>
        %add3A_54 = arith.addf %get3A_42, %add3A_53 : vector<16xf32>
        %sub3A_55 = arith.constant 5.000000e-02 : f32
        %sub3A_56 = vector.broadcast %sub3A_55 : f32 to vector<16xf32>
        %sub3A_57 = arith.subf %sub3A_56, %scan3A_38#1 : vector<16xf32>
        %max3A_58 = arith.constant 0.000000e+00 : f32
        %max3A_59 = vector.broadcast %max3A_58 : f32 to vector<16xf32>
        %max3A_60 = arith.maximumf %sub3A_57, %max3A_59 : vector<16xf32>
        %sub3A_61 = arith.constant 2.500000e-01 : f32
        %sub3A_62 = vector.broadcast %sub3A_61 : f32 to vector<16xf32>
        %sub3A_63 = arith.subf %scan3A_38#1, %sub3A_62 : vector<16xf32>
        %max3A_64 = arith.constant 0.000000e+00 : f32
        %max3A_65 = vector.broadcast %max3A_64 : f32 to vector<16xf32>
        %max3A_66 = arith.maximumf %sub3A_63, %max3A_65 : vector<16xf32>
        %add3A_67 = arith.addf %max3A_60, %max3A_66 : vector<16xf32>
        %add3A_68 = arith.addf %add3A_54, %add3A_67 : vector<16xf32>
        %sub3A_69 = arith.constant 5.000000e-02 : f32
        %sub3A_70 = vector.broadcast %sub3A_69 : f32 to vector<16xf32>
        %sub3A_71 = arith.subf %sub3A_70, %scan3A_38#2 : vector<16xf32>
        %max3A_72 = arith.constant 0.000000e+00 : f32
        %max3A_73 = vector.broadcast %max3A_72 : f32 to vector<16xf32>
        %max3A_74 = arith.maximumf %sub3A_71, %max3A_73 : vector<16xf32>
        %sub3A_75 = arith.constant 2.500000e-01 : f32
        %sub3A_76 = vector.broadcast %sub3A_75 : f32 to vector<16xf32>
        %sub3A_77 = arith.subf %scan3A_38#2, %sub3A_76 : vector<16xf32>
        %max3A_78 = arith.constant 0.000000e+00 : f32
        %max3A_79 = vector.broadcast %max3A_78 : f32 to vector<16xf32>
        %max3A_80 = arith.maximumf %sub3A_77, %max3A_79 : vector<16xf32>
        %add3A_81 = arith.addf %max3A_74, %max3A_80 : vector<16xf32>
        %add3A_82 = arith.addf %add3A_68, %add3A_81 : vector<16xf32>
        %swap3A_83 = arith.constant 0 : index
        %swap3A_84 = tpu.vector_load %arg6[%swap3A_83] {strides = array<i32>} : memref<16xf32, #tpu.memory_space<vmem>>, vector<16xf32>,
        %swap3A_85 = vector.shape_cast %swap3A_84 : vector<16xf32> to vector<16xf32>
        %swap3A_86 = vector.shape_cast %add3A_82 : vector<16xf32> to vector<16xf32>
        tpu.vector_store %arg6[%swap3A_83], %swap3A_86 {strides = array<i32>} : memref<16xf32, #tpu.memory_space<vmem>>, vector<16xf32>,
        %broadcast_in_dim3A_87 = arith.constant 0.000000e+00 : f32
        %broadcast_in_dim3A_88 = vector.broadcast %broadcast_in_dim3A_87 : f32 to vector<16xf32>
        %scan3A_89 = arith.constant 0 : i32
        %scan3A_90 = arith.constant 100 : i32
        %scan3A_91 = arith.addi %scan3A_89, %scan3A_90 : i32
        %scan3A_92 = arith.constant 1 : i32
        %scan3A_93:3 = scf.for %scan3A_486 = %scan3A_89 to %scan3A_91 step %scan3A_92 iter_args(%scan3A_487 = %broadcast_in_dim3A_88, %scan3A_488 = %broadcast_in_dim3A_88, %scan3A_489 = %broadcast_in_dim3A_88) -> (vector<16xf32>, vector<16xf32>, vector<16xf32>)  : i32 {
          %get3A_490 = arith.index_cast %scan3A_486 : i32 to index
          %get3A_491 = arith.constant 16 : index
          %get3A_492 = tpu.vector_load %arg4[%get3A_490, %get3A_491] {strides = array<i32>} : memref<300x128xf32, #tpu.memory_space<vmem>>, vector<1x16xf32>,
          %get3A_493 = vector.shape_cast %get3A_492 : vector<1x16xf32> to vector<16xf32>
          %add3A_494 = arith.constant 100 : i32
          %add3A_495 = arith.addi %scan3A_486, %add3A_494 : i32
          %get3A_496 = arith.index_cast %add3A_495 : i32 to index
          %get3A_497 = arith.constant 16 : index
          %get3A_498 = tpu.vector_load %arg4[%get3A_496, %get3A_497] {strides = array<i32>} : memref<300x128xf32, #tpu.memory_space<vmem>>, vector<1x16xf32>,
          %get3A_499 = vector.shape_cast %get3A_498 : vector<1x16xf32> to vector<16xf32>
          %add3A_500 = arith.constant 200 : i32
          %add3A_501 = arith.addi %scan3A_486, %add3A_500 : i32
          %get3A_502 = arith.index_cast %add3A_501 : i32 to index
          %get3A_503 = arith.constant 16 : index
          %get3A_504 = tpu.vector_load %arg4[%get3A_502, %get3A_503] {strides = array<i32>} : memref<300x128xf32, #tpu.memory_space<vmem>>, vector<1x16xf32>,
          %get3A_505 = vector.shape_cast %get3A_504 : vector<1x16xf32> to vector<16xf32>
          %sub3A_506 = arith.subf %get3A_493, %get3A_499 : vector<16xf32>
          %sub3A_507 = arith.subf %get3A_499, %get3A_505 : vector<16xf32>
          %sub3A_508 = arith.subf %get3A_505, %get3A_493 : vector<16xf32>
          %mul3A_509 = arith.mulf %sub3A_506, %sub3A_506 : vector<16xf32>
          %add3A_510 = arith.addf %scan3A_487, %mul3A_509 : vector<16xf32>
          %mul3A_511 = arith.mulf %sub3A_507, %sub3A_507 : vector<16xf32>
          %add3A_512 = arith.addf %scan3A_488, %mul3A_511 : vector<16xf32>
          %mul3A_513 = arith.mulf %sub3A_508, %sub3A_508 : vector<16xf32>
          %add3A_514 = arith.addf %scan3A_489, %mul3A_513 : vector<16xf32>
          scf.yield %add3A_510, %add3A_512, %add3A_514 : vector<16xf32>, vector<16xf32>, vector<16xf32>
        }
        %scan3A_94 = arith.constant 100 : i32
        %get3A_95 = arith.constant 0 : index
        %get3A_96 = tpu.vector_load %arg6[%get3A_95] {strides = array<i32>} : memref<16xf32, #tpu.memory_space<vmem>>, vector<16xf32>,
        %get3A_97 = vector.shape_cast %get3A_96 : vector<16xf32> to vector<16xf32>
        %sub3A_98 = arith.constant 5.000000e-02 : f32
        %sub3A_99 = vector.broadcast %sub3A_98 : f32 to vector<16xf32>
        %sub3A_100 = arith.subf %sub3A_99, %scan3A_93#0 : vector<16xf32>
        %max3A_101 = arith.constant 0.000000e+00 : f32
        %max3A_102 = vector.broadcast %max3A_101 : f32 to vector<16xf32>
        %max3A_103 = arith.maximumf %sub3A_100, %max3A_102 : vector<16xf32>
        %sub3A_104 = arith.constant 2.500000e-01 : f32
        %sub3A_105 = vector.broadcast %sub3A_104 : f32 to vector<16xf32>
        %sub3A_106 = arith.subf %scan3A_93#0, %sub3A_105 : vector<16xf32>
        %max3A_107 = arith.constant 0.000000e+00 : f32
        %max3A_108 = vector.broadcast %max3A_107 : f32 to vector<16xf32>
        %max3A_109 = arith.maximumf %sub3A_106, %max3A_108 : vector<16xf32>
        %add3A_110 = arith.addf %max3A_103, %max3A_109 : vector<16xf32>
        %add3A_111 = arith.addf %get3A_97, %add3A_110 : vector<16xf32>
        %sub3A_112 = arith.constant 5.000000e-02 : f32
        %sub3A_113 = vector.broadcast %sub3A_112 : f32 to vector<16xf32>
        %sub3A_114 = arith.subf %sub3A_113, %scan3A_93#1 : vector<16xf32>
        %max3A_115 = arith.constant 0.000000e+00 : f32
        %max3A_116 = vector.broadcast %max3A_115 : f32 to vector<16xf32>
        %max3A_117 = arith.maximumf %sub3A_114, %max3A_116 : vector<16xf32>
        %sub3A_118 = arith.constant 2.500000e-01 : f32
        %sub3A_119 = vector.broadcast %sub3A_118 : f32 to vector<16xf32>
        %sub3A_120 = arith.subf %scan3A_93#1, %sub3A_119 : vector<16xf32>
        %max3A_121 = arith.constant 0.000000e+00 : f32
        %max3A_122 = vector.broadcast %max3A_121 : f32 to vector<16xf32>
        %max3A_123 = arith.maximumf %sub3A_120, %max3A_122 : vector<16xf32>
        %add3A_124 = arith.addf %max3A_117, %max3A_123 : vector<16xf32>
        %add3A_125 = arith.addf %add3A_111, %add3A_124 : vector<16xf32>
        %sub3A_126 = arith.constant 5.000000e-02 : f32
        %sub3A_127 = vector.broadcast %sub3A_126 : f32 to vector<16xf32>
        %sub3A_128 = arith.subf %sub3A_127, %scan3A_93#2 : vector<16xf32>
        %max3A_129 = arith.constant 0.000000e+00 : f32
        %max3A_130 = vector.broadcast %max3A_129 : f32 to vector<16xf32>
        %max3A_131 = arith.maximumf %sub3A_128, %max3A_130 : vector<16xf32>
        %sub3A_132 = arith.constant 2.500000e-01 : f32
        %sub3A_133 = vector.broadcast %sub3A_132 : f32 to vector<16xf32>
        %sub3A_134 = arith.subf %scan3A_93#2, %sub3A_133 : vector<16xf32>
        %max3A_135 = arith.constant 0.000000e+00 : f32
        %max3A_136 = vector.broadcast %max3A_135 : f32 to vector<16xf32>
        %max3A_137 = arith.maximumf %sub3A_134, %max3A_136 : vector<16xf32>
        %add3A_138 = arith.addf %max3A_131, %max3A_137 : vector<16xf32>
        %add3A_139 = arith.addf %add3A_125, %add3A_138 : vector<16xf32>
        %swap3A_140 = arith.constant 0 : index
        %swap3A_141 = tpu.vector_load %arg6[%swap3A_140] {strides = array<i32>} : memref<16xf32, #tpu.memory_space<vmem>>, vector<16xf32>,
        %swap3A_142 = vector.shape_cast %swap3A_141 : vector<16xf32> to vector<16xf32>
        %swap3A_143 = vector.shape_cast %add3A_139 : vector<16xf32> to vector<16xf32>
        tpu.vector_store %arg6[%swap3A_140], %swap3A_143 {strides = array<i32>} : memref<16xf32, #tpu.memory_space<vmem>>, vector<16xf32>,
        %broadcast_in_dim3A_144 = arith.constant 0.000000e+00 : f32
        %broadcast_in_dim3A_145 = vector.broadcast %broadcast_in_dim3A_144 : f32 to vector<16xf32>
        %scan3A_146 = arith.constant 0 : i32
        %scan3A_147 = arith.constant 100 : i32
        %scan3A_148 = arith.addi %scan3A_146, %scan3A_147 : i32
        %scan3A_149 = arith.constant 1 : i32
        %scan3A_150:3 = scf.for %scan3A_486 = %scan3A_146 to %scan3A_148 step %scan3A_149 iter_args(%scan3A_487 = %broadcast_in_dim3A_145, %scan3A_488 = %broadcast_in_dim3A_145, %scan3A_489 = %broadcast_in_dim3A_145) -> (vector<16xf32>, vector<16xf32>, vector<16xf32>)  : i32 {
          %get3A_490 = arith.index_cast %scan3A_486 : i32 to index
          %get3A_491 = arith.constant 32 : index
          %get3A_492 = tpu.vector_load %arg4[%get3A_490, %get3A_491] {strides = array<i32>} : memref<300x128xf32, #tpu.memory_space<vmem>>, vector<1x16xf32>,
          %get3A_493 = vector.shape_cast %get3A_492 : vector<1x16xf32> to vector<16xf32>
          %add3A_494 = arith.constant 100 : i32
          %add3A_495 = arith.addi %scan3A_486, %add3A_494 : i32
          %get3A_496 = arith.index_cast %add3A_495 : i32 to index
          %get3A_497 = arith.constant 32 : index
          %get3A_498 = tpu.vector_load %arg4[%get3A_496, %get3A_497] {strides = array<i32>} : memref<300x128xf32, #tpu.memory_space<vmem>>, vector<1x16xf32>,
          %get3A_499 = vector.shape_cast %get3A_498 : vector<1x16xf32> to vector<16xf32>
          %add3A_500 = arith.constant 200 : i32
          %add3A_501 = arith.addi %scan3A_486, %add3A_500 : i32
          %get3A_502 = arith.index_cast %add3A_501 : i32 to index
          %get3A_503 = arith.constant 32 : index
          %get3A_504 = tpu.vector_load %arg4[%get3A_502, %get3A_503] {strides = array<i32>} : memref<300x128xf32, #tpu.memory_space<vmem>>, vector<1x16xf32>,
          %get3A_505 = vector.shape_cast %get3A_504 : vector<1x16xf32> to vector<16xf32>
          %sub3A_506 = arith.subf %get3A_493, %get3A_499 : vector<16xf32>
          %sub3A_507 = arith.subf %get3A_499, %get3A_505 : vector<16xf32>
          %sub3A_508 = arith.subf %get3A_505, %get3A_493 : vector<16xf32>
          %mul3A_509 = arith.mulf %sub3A_506, %sub3A_506 : vector<16xf32>
          %add3A_510 = arith.addf %scan3A_487, %mul3A_509 : vector<16xf32>
          %mul3A_511 = arith.mulf %sub3A_507, %sub3A_507 : vector<16xf32>
          %add3A_512 = arith.addf %scan3A_488, %mul3A_511 : vector<16xf32>
          %mul3A_513 = arith.mulf %sub3A_508, %sub3A_508 : vector<16xf32>
          %add3A_514 = arith.addf %scan3A_489, %mul3A_513 : vector<16xf32>
          scf.yield %add3A_510, %add3A_512, %add3A_514 : vector<16xf32>, vector<16xf32>, vector<16xf32>
        }
        %scan3A_151 = arith.constant 100 : i32
        %get3A_152 = arith.constant 0 : index
        %get3A_153 = tpu.vector_load %arg6[%get3A_152] {strides = array<i32>} : memref<16xf32, #tpu.memory_space<vmem>>, vector<16xf32>,
        %get3A_154 = vector.shape_cast %get3A_153 : vector<16xf32> to vector<16xf32>
        %sub3A_155 = arith.constant 5.000000e-02 : f32
        %sub3A_156 = vector.broadcast %sub3A_155 : f32 to vector<16xf32>
        %sub3A_157 = arith.subf %sub3A_156, %scan3A_150#0 : vector<16xf32>
        %max3A_158 = arith.constant 0.000000e+00 : f32
        %max3A_159 = vector.broadcast %max3A_158 : f32 to vector<16xf32>
        %max3A_160 = arith.maximumf %sub3A_157, %max3A_159 : vector<16xf32>
        %sub3A_161 = arith.constant 2.500000e-01 : f32
        %sub3A_162 = vector.broadcast %sub3A_161 : f32 to vector<16xf32>
        %sub3A_163 = arith.subf %scan3A_150#0, %sub3A_162 : vector<16xf32>
        %max3A_164 = arith.constant 0.000000e+00 : f32
        %max3A_165 = vector.broadcast %max3A_164 : f32 to vector<16xf32>
        %max3A_166 = arith.maximumf %sub3A_163, %max3A_165 : vector<16xf32>
        %add3A_167 = arith.addf %max3A_160, %max3A_166 : vector<16xf32>
        %add3A_168 = arith.addf %get3A_154, %add3A_167 : vector<16xf32>
        %sub3A_169 = arith.constant 5.000000e-02 : f32
        %sub3A_170 = vector.broadcast %sub3A_169 : f32 to vector<16xf32>
        %sub3A_171 = arith.subf %sub3A_170, %scan3A_150#1 : vector<16xf32>
        %max3A_172 = arith.constant 0.000000e+00 : f32
        %max3A_173 = vector.broadcast %max3A_172 : f32 to vector<16xf32>
        %max3A_174 = arith.maximumf %sub3A_171, %max3A_173 : vector<16xf32>
        %sub3A_175 = arith.constant 2.500000e-01 : f32
        %sub3A_176 = vector.broadcast %sub3A_175 : f32 to vector<16xf32>
        %sub3A_177 = arith.subf %scan3A_150#1, %sub3A_176 : vector<16xf32>
        %max3A_178 = arith.constant 0.000000e+00 : f32
        %max3A_179 = vector.broadcast %max3A_178 : f32 to vector<16xf32>
        %max3A_180 = arith.maximumf %sub3A_177, %max3A_179 : vector<16xf32>
        %add3A_181 = arith.addf %max3A_174, %max3A_180 : vector<16xf32>
        %add3A_182 = arith.addf %add3A_168, %add3A_181 : vector<16xf32>
        %sub3A_183 = arith.constant 5.000000e-02 : f32
        %sub3A_184 = vector.broadcast %sub3A_183 : f32 to vector<16xf32>
        %sub3A_185 = arith.subf %sub3A_184, %scan3A_150#2 : vector<16xf32>
        %max3A_186 = arith.constant 0.000000e+00 : f32
        %max3A_187 = vector.broadcast %max3A_186 : f32 to vector<16xf32>
        %max3A_188 = arith.maximumf %sub3A_185, %max3A_187 : vector<16xf32>
        %sub3A_189 = arith.constant 2.500000e-01 : f32
        %sub3A_190 = vector.broadcast %sub3A_189 : f32 to vector<16xf32>
        %sub3A_191 = arith.subf %scan3A_150#2, %sub3A_190 : vector<16xf32>
        %max3A_192 = arith.constant 0.000000e+00 : f32
        %max3A_193 = vector.broadcast %max3A_192 : f32 to vector<16xf32>
        %max3A_194 = arith.maximumf %sub3A_191, %max3A_193 : vector<16xf32>
        %add3A_195 = arith.addf %max3A_188, %max3A_194 : vector<16xf32>
        %add3A_196 = arith.addf %add3A_182, %add3A_195 : vector<16xf32>
        %swap3A_197 = arith.constant 0 : index
        %swap3A_198 = tpu.vector_load %arg6[%swap3A_197] {strides = array<i32>} : memref<16xf32, #tpu.memory_space<vmem>>, vector<16xf32>,
        %swap3A_199 = vector.shape_cast %swap3A_198 : vector<16xf32> to vector<16xf32>
        %swap3A_200 = vector.shape_cast %add3A_196 : vector<16xf32> to vector<16xf32>
        tpu.vector_store %arg6[%swap3A_197], %swap3A_200 {strides = array<i32>} : memref<16xf32, #tpu.memory_space<vmem>>, vector<16xf32>,
        %broadcast_in_dim3A_201 = arith.constant 0.000000e+00 : f32
        %broadcast_in_dim3A_202 = vector.broadcast %broadcast_in_dim3A_201 : f32 to vector<16xf32>
        %scan3A_203 = arith.constant 0 : i32
        %scan3A_204 = arith.constant 100 : i32
        %scan3A_205 = arith.addi %scan3A_203, %scan3A_204 : i32
        %scan3A_206 = arith.constant 1 : i32
        %scan3A_207:3 = scf.for %scan3A_486 = %scan3A_203 to %scan3A_205 step %scan3A_206 iter_args(%scan3A_487 = %broadcast_in_dim3A_202, %scan3A_488 = %broadcast_in_dim3A_202, %scan3A_489 = %broadcast_in_dim3A_202) -> (vector<16xf32>, vector<16xf32>, vector<16xf32>)  : i32 {
          %get3A_490 = arith.index_cast %scan3A_486 : i32 to index
          %get3A_491 = arith.constant 48 : index
          %get3A_492 = tpu.vector_load %arg4[%get3A_490, %get3A_491] {strides = array<i32>} : memref<300x128xf32, #tpu.memory_space<vmem>>, vector<1x16xf32>,
          %get3A_493 = vector.shape_cast %get3A_492 : vector<1x16xf32> to vector<16xf32>
          %add3A_494 = arith.constant 100 : i32
          %add3A_495 = arith.addi %scan3A_486, %add3A_494 : i32
          %get3A_496 = arith.index_cast %add3A_495 : i32 to index
          %get3A_497 = arith.constant 48 : index
          %get3A_498 = tpu.vector_load %arg4[%get3A_496, %get3A_497] {strides = array<i32>} : memref<300x128xf32, #tpu.memory_space<vmem>>, vector<1x16xf32>,
          %get3A_499 = vector.shape_cast %get3A_498 : vector<1x16xf32> to vector<16xf32>
          %add3A_500 = arith.constant 200 : i32
          %add3A_501 = arith.addi %scan3A_486, %add3A_500 : i32
          %get3A_502 = arith.index_cast %add3A_501 : i32 to index
          %get3A_503 = arith.constant 48 : index
          %get3A_504 = tpu.vector_load %arg4[%get3A_502, %get3A_503] {strides = array<i32>} : memref<300x128xf32, #tpu.memory_space<vmem>>, vector<1x16xf32>,
          %get3A_505 = vector.shape_cast %get3A_504 : vector<1x16xf32> to vector<16xf32>
          %sub3A_506 = arith.subf %get3A_493, %get3A_499 : vector<16xf32>
          %sub3A_507 = arith.subf %get3A_499, %get3A_505 : vector<16xf32>
          %sub3A_508 = arith.subf %get3A_505, %get3A_493 : vector<16xf32>
          %mul3A_509 = arith.mulf %sub3A_506, %sub3A_506 : vector<16xf32>
          %add3A_510 = arith.addf %scan3A_487, %mul3A_509 : vector<16xf32>
          %mul3A_511 = arith.mulf %sub3A_507, %sub3A_507 : vector<16xf32>
          %add3A_512 = arith.addf %scan3A_488, %mul3A_511 : vector<16xf32>
          %mul3A_513 = arith.mulf %sub3A_508, %sub3A_508 : vector<16xf32>
          %add3A_514 = arith.addf %scan3A_489, %mul3A_513 : vector<16xf32>
          scf.yield %add3A_510, %add3A_512, %add3A_514 : vector<16xf32>, vector<16xf32>, vector<16xf32>
        }
        %scan3A_208 = arith.constant 100 : i32
        %get3A_209 = arith.constant 0 : index
        %get3A_210 = tpu.vector_load %arg6[%get3A_209] {strides = array<i32>} : memref<16xf32, #tpu.memory_space<vmem>>, vector<16xf32>,
        %get3A_211 = vector.shape_cast %get3A_210 : vector<16xf32> to vector<16xf32>
        %sub3A_212 = arith.constant 5.000000e-02 : f32
        %sub3A_213 = vector.broadcast %sub3A_212 : f32 to vector<16xf32>
        %sub3A_214 = arith.subf %sub3A_213, %scan3A_207#0 : vector<16xf32>
        %max3A_215 = arith.constant 0.000000e+00 : f32
        %max3A_216 = vector.broadcast %max3A_215 : f32 to vector<16xf32>
        %max3A_217 = arith.maximumf %sub3A_214, %max3A_216 : vector<16xf32>
        %sub3A_218 = arith.constant 2.500000e-01 : f32
        %sub3A_219 = vector.broadcast %sub3A_218 : f32 to vector<16xf32>
        %sub3A_220 = arith.subf %scan3A_207#0, %sub3A_219 : vector<16xf32>
        %max3A_221 = arith.constant 0.000000e+00 : f32
        %max3A_222 = vector.broadcast %max3A_221 : f32 to vector<16xf32>
        %max3A_223 = arith.maximumf %sub3A_220, %max3A_222 : vector<16xf32>
        %add3A_224 = arith.addf %max3A_217, %max3A_223 : vector<16xf32>
        %add3A_225 = arith.addf %get3A_211, %add3A_224 : vector<16xf32>
        %sub3A_226 = arith.constant 5.000000e-02 : f32
        %sub3A_227 = vector.broadcast %sub3A_226 : f32 to vector<16xf32>
        %sub3A_228 = arith.subf %sub3A_227, %scan3A_207#1 : vector<16xf32>
        %max3A_229 = arith.constant 0.000000e+00 : f32
        %max3A_230 = vector.broadcast %max3A_229 : f32 to vector<16xf32>
        %max3A_231 = arith.maximumf %sub3A_228, %max3A_230 : vector<16xf32>
        %sub3A_232 = arith.constant 2.500000e-01 : f32
        %sub3A_233 = vector.broadcast %sub3A_232 : f32 to vector<16xf32>
        %sub3A_234 = arith.subf %scan3A_207#1, %sub3A_233 : vector<16xf32>
        %max3A_235 = arith.constant 0.000000e+00 : f32
        %max3A_236 = vector.broadcast %max3A_235 : f32 to vector<16xf32>
        %max3A_237 = arith.maximumf %sub3A_234, %max3A_236 : vector<16xf32>
        %add3A_238 = arith.addf %max3A_231, %max3A_237 : vector<16xf32>
        %add3A_239 = arith.addf %add3A_225, %add3A_238 : vector<16xf32>
        %sub3A_240 = arith.constant 5.000000e-02 : f32
        %sub3A_241 = vector.broadcast %sub3A_240 : f32 to vector<16xf32>
        %sub3A_242 = arith.subf %sub3A_241, %scan3A_207#2 : vector<16xf32>
        %max3A_243 = arith.constant 0.000000e+00 : f32
        %max3A_244 = vector.broadcast %max3A_243 : f32 to vector<16xf32>
        %max3A_245 = arith.maximumf %sub3A_242, %max3A_244 : vector<16xf32>
        %sub3A_246 = arith.constant 2.500000e-01 : f32
        %sub3A_247 = vector.broadcast %sub3A_246 : f32 to vector<16xf32>
        %sub3A_248 = arith.subf %scan3A_207#2, %sub3A_247 : vector<16xf32>
        %max3A_249 = arith.constant 0.000000e+00 : f32
        %max3A_250 = vector.broadcast %max3A_249 : f32 to vector<16xf32>
        %max3A_251 = arith.maximumf %sub3A_248, %max3A_250 : vector<16xf32>
        %add3A_252 = arith.addf %max3A_245, %max3A_251 : vector<16xf32>
        %add3A_253 = arith.addf %add3A_239, %add3A_252 : vector<16xf32>
        %swap3A_254 = arith.constant 0 : index
        %swap3A_255 = tpu.vector_load %arg6[%swap3A_254] {strides = array<i32>} : memref<16xf32, #tpu.memory_space<vmem>>, vector<16xf32>,
        %swap3A_256 = vector.shape_cast %swap3A_255 : vector<16xf32> to vector<16xf32>
        %swap3A_257 = vector.shape_cast %add3A_253 : vector<16xf32> to vector<16xf32>
        tpu.vector_store %arg6[%swap3A_254], %swap3A_257 {strides = array<i32>} : memref<16xf32, #tpu.memory_space<vmem>>, vector<16xf32>,
        %broadcast_in_dim3A_258 = arith.constant 0.000000e+00 : f32
        %broadcast_in_dim3A_259 = vector.broadcast %broadcast_in_dim3A_258 : f32 to vector<16xf32>
        %scan3A_260 = arith.constant 0 : i32
        %scan3A_261 = arith.constant 100 : i32
        %scan3A_262 = arith.addi %scan3A_260, %scan3A_261 : i32
        %scan3A_263 = arith.constant 1 : i32
        %scan3A_264:3 = scf.for %scan3A_486 = %scan3A_260 to %scan3A_262 step %scan3A_263 iter_args(%scan3A_487 = %broadcast_in_dim3A_259, %scan3A_488 = %broadcast_in_dim3A_259, %scan3A_489 = %broadcast_in_dim3A_259) -> (vector<16xf32>, vector<16xf32>, vector<16xf32>)  : i32 {
          %get3A_490 = arith.index_cast %scan3A_486 : i32 to index
          %get3A_491 = arith.constant 64 : index
          %get3A_492 = tpu.vector_load %arg4[%get3A_490, %get3A_491] {strides = array<i32>} : memref<300x128xf32, #tpu.memory_space<vmem>>, vector<1x16xf32>,
          %get3A_493 = vector.shape_cast %get3A_492 : vector<1x16xf32> to vector<16xf32>
          %add3A_494 = arith.constant 100 : i32
          %add3A_495 = arith.addi %scan3A_486, %add3A_494 : i32
          %get3A_496 = arith.index_cast %add3A_495 : i32 to index
          %get3A_497 = arith.constant 64 : index
          %get3A_498 = tpu.vector_load %arg4[%get3A_496, %get3A_497] {strides = array<i32>} : memref<300x128xf32, #tpu.memory_space<vmem>>, vector<1x16xf32>,
          %get3A_499 = vector.shape_cast %get3A_498 : vector<1x16xf32> to vector<16xf32>
          %add3A_500 = arith.constant 200 : i32
          %add3A_501 = arith.addi %scan3A_486, %add3A_500 : i32
          %get3A_502 = arith.index_cast %add3A_501 : i32 to index
          %get3A_503 = arith.constant 64 : index
          %get3A_504 = tpu.vector_load %arg4[%get3A_502, %get3A_503] {strides = array<i32>} : memref<300x128xf32, #tpu.memory_space<vmem>>, vector<1x16xf32>,
          %get3A_505 = vector.shape_cast %get3A_504 : vector<1x16xf32> to vector<16xf32>
          %sub3A_506 = arith.subf %get3A_493, %get3A_499 : vector<16xf32>
          %sub3A_507 = arith.subf %get3A_499, %get3A_505 : vector<16xf32>
          %sub3A_508 = arith.subf %get3A_505, %get3A_493 : vector<16xf32>
          %mul3A_509 = arith.mulf %sub3A_506, %sub3A_506 : vector<16xf32>
          %add3A_510 = arith.addf %scan3A_487, %mul3A_509 : vector<16xf32>
          %mul3A_511 = arith.mulf %sub3A_507, %sub3A_507 : vector<16xf32>
          %add3A_512 = arith.addf %scan3A_488, %mul3A_511 : vector<16xf32>
          %mul3A_513 = arith.mulf %sub3A_508, %sub3A_508 : vector<16xf32>
          %add3A_514 = arith.addf %scan3A_489, %mul3A_513 : vector<16xf32>
          scf.yield %add3A_510, %add3A_512, %add3A_514 : vector<16xf32>, vector<16xf32>, vector<16xf32>
        }
        %scan3A_265 = arith.constant 100 : i32
        %get3A_266 = arith.constant 0 : index
        %get3A_267 = tpu.vector_load %arg6[%get3A_266] {strides = array<i32>} : memref<16xf32, #tpu.memory_space<vmem>>, vector<16xf32>,
        %get3A_268 = vector.shape_cast %get3A_267 : vector<16xf32> to vector<16xf32>
        %sub3A_269 = arith.constant 5.000000e-02 : f32
        %sub3A_270 = vector.broadcast %sub3A_269 : f32 to vector<16xf32>
        %sub3A_271 = arith.subf %sub3A_270, %scan3A_264#0 : vector<16xf32>
        %max3A_272 = arith.constant 0.000000e+00 : f32
        %max3A_273 = vector.broadcast %max3A_272 : f32 to vector<16xf32>
        %max3A_274 = arith.maximumf %sub3A_271, %max3A_273 : vector<16xf32>
        %sub3A_275 = arith.constant 2.500000e-01 : f32
        %sub3A_276 = vector.broadcast %sub3A_275 : f32 to vector<16xf32>
        %sub3A_277 = arith.subf %scan3A_264#0, %sub3A_276 : vector<16xf32>
        %max3A_278 = arith.constant 0.000000e+00 : f32
        %max3A_279 = vector.broadcast %max3A_278 : f32 to vector<16xf32>
        %max3A_280 = arith.maximumf %sub3A_277, %max3A_279 : vector<16xf32>
        %add3A_281 = arith.addf %max3A_274, %max3A_280 : vector<16xf32>
        %add3A_282 = arith.addf %get3A_268, %add3A_281 : vector<16xf32>
        %sub3A_283 = arith.constant 5.000000e-02 : f32
        %sub3A_284 = vector.broadcast %sub3A_283 : f32 to vector<16xf32>
        %sub3A_285 = arith.subf %sub3A_284, %scan3A_264#1 : vector<16xf32>
        %max3A_286 = arith.constant 0.000000e+00 : f32
        %max3A_287 = vector.broadcast %max3A_286 : f32 to vector<16xf32>
        %max3A_288 = arith.maximumf %sub3A_285, %max3A_287 : vector<16xf32>
        %sub3A_289 = arith.constant 2.500000e-01 : f32
        %sub3A_290 = vector.broadcast %sub3A_289 : f32 to vector<16xf32>
        %sub3A_291 = arith.subf %scan3A_264#1, %sub3A_290 : vector<16xf32>
        %max3A_292 = arith.constant 0.000000e+00 : f32
        %max3A_293 = vector.broadcast %max3A_292 : f32 to vector<16xf32>
        %max3A_294 = arith.maximumf %sub3A_291, %max3A_293 : vector<16xf32>
        %add3A_295 = arith.addf %max3A_288, %max3A_294 : vector<16xf32>
        %add3A_296 = arith.addf %add3A_282, %add3A_295 : vector<16xf32>
        %sub3A_297 = arith.constant 5.000000e-02 : f32
        %sub3A_298 = vector.broadcast %sub3A_297 : f32 to vector<16xf32>
        %sub3A_299 = arith.subf %sub3A_298, %scan3A_264#2 : vector<16xf32>
        %max3A_300 = arith.constant 0.000000e+00 : f32
        %max3A_301 = vector.broadcast %max3A_300 : f32 to vector<16xf32>
        %max3A_302 = arith.maximumf %sub3A_299, %max3A_301 : vector<16xf32>
        %sub3A_303 = arith.constant 2.500000e-01 : f32
        %sub3A_304 = vector.broadcast %sub3A_303 : f32 to vector<16xf32>
        %sub3A_305 = arith.subf %scan3A_264#2, %sub3A_304 : vector<16xf32>
        %max3A_306 = arith.constant 0.000000e+00 : f32
        %max3A_307 = vector.broadcast %max3A_306 : f32 to vector<16xf32>
        %max3A_308 = arith.maximumf %sub3A_305, %max3A_307 : vector<16xf32>
        %add3A_309 = arith.addf %max3A_302, %max3A_308 : vector<16xf32>
        %add3A_310 = arith.addf %add3A_296, %add3A_309 : vector<16xf32>
        %swap3A_311 = arith.constant 0 : index
        %swap3A_312 = tpu.vector_load %arg6[%swap3A_311] {strides = array<i32>} : memref<16xf32, #tpu.memory_space<vmem>>, vector<16xf32>,
        %swap3A_313 = vector.shape_cast %swap3A_312 : vector<16xf32> to vector<16xf32>
        %swap3A_314 = vector.shape_cast %add3A_310 : vector<16xf32> to vector<16xf32>
        tpu.vector_store %arg6[%swap3A_311], %swap3A_314 {strides = array<i32>} : memref<16xf32, #tpu.memory_space<vmem>>, vector<16xf32>,
        %broadcast_in_dim3A_315 = arith.constant 0.000000e+00 : f32
        %broadcast_in_dim3A_316 = vector.broadcast %broadcast_in_dim3A_315 : f32 to vector<16xf32>
        %scan3A_317 = arith.constant 0 : i32
        %scan3A_318 = arith.constant 100 : i32
        %scan3A_319 = arith.addi %scan3A_317, %scan3A_318 : i32
        %scan3A_320 = arith.constant 1 : i32
        %scan3A_321:3 = scf.for %scan3A_486 = %scan3A_317 to %scan3A_319 step %scan3A_320 iter_args(%scan3A_487 = %broadcast_in_dim3A_316, %scan3A_488 = %broadcast_in_dim3A_316, %scan3A_489 = %broadcast_in_dim3A_316) -> (vector<16xf32>, vector<16xf32>, vector<16xf32>)  : i32 {
          %get3A_490 = arith.index_cast %scan3A_486 : i32 to index
          %get3A_491 = arith.constant 80 : index
          %get3A_492 = tpu.vector_load %arg4[%get3A_490, %get3A_491] {strides = array<i32>} : memref<300x128xf32, #tpu.memory_space<vmem>>, vector<1x16xf32>,
          %get3A_493 = vector.shape_cast %get3A_492 : vector<1x16xf32> to vector<16xf32>
          %add3A_494 = arith.constant 100 : i32
          %add3A_495 = arith.addi %scan3A_486, %add3A_494 : i32
          %get3A_496 = arith.index_cast %add3A_495 : i32 to index
          %get3A_497 = arith.constant 80 : index
          %get3A_498 = tpu.vector_load %arg4[%get3A_496, %get3A_497] {strides = array<i32>} : memref<300x128xf32, #tpu.memory_space<vmem>>, vector<1x16xf32>,
          %get3A_499 = vector.shape_cast %get3A_498 : vector<1x16xf32> to vector<16xf32>
          %add3A_500 = arith.constant 200 : i32
          %add3A_501 = arith.addi %scan3A_486, %add3A_500 : i32
          %get3A_502 = arith.index_cast %add3A_501 : i32 to index
          %get3A_503 = arith.constant 80 : index
          %get3A_504 = tpu.vector_load %arg4[%get3A_502, %get3A_503] {strides = array<i32>} : memref<300x128xf32, #tpu.memory_space<vmem>>, vector<1x16xf32>,
          %get3A_505 = vector.shape_cast %get3A_504 : vector<1x16xf32> to vector<16xf32>
          %sub3A_506 = arith.subf %get3A_493, %get3A_499 : vector<16xf32>
          %sub3A_507 = arith.subf %get3A_499, %get3A_505 : vector<16xf32>
          %sub3A_508 = arith.subf %get3A_505, %get3A_493 : vector<16xf32>
          %mul3A_509 = arith.mulf %sub3A_506, %sub3A_506 : vector<16xf32>
          %add3A_510 = arith.addf %scan3A_487, %mul3A_509 : vector<16xf32>
          %mul3A_511 = arith.mulf %sub3A_507, %sub3A_507 : vector<16xf32>
          %add3A_512 = arith.addf %scan3A_488, %mul3A_511 : vector<16xf32>
          %mul3A_513 = arith.mulf %sub3A_508, %sub3A_508 : vector<16xf32>
          %add3A_514 = arith.addf %scan3A_489, %mul3A_513 : vector<16xf32>
          scf.yield %add3A_510, %add3A_512, %add3A_514 : vector<16xf32>, vector<16xf32>, vector<16xf32>
        }
        %scan3A_322 = arith.constant 100 : i32
        %get3A_323 = arith.constant 0 : index
        %get3A_324 = tpu.vector_load %arg6[%get3A_323] {strides = array<i32>} : memref<16xf32, #tpu.memory_space<vmem>>, vector<16xf32>,
        %get3A_325 = vector.shape_cast %get3A_324 : vector<16xf32> to vector<16xf32>
        %sub3A_326 = arith.constant 5.000000e-02 : f32
        %sub3A_327 = vector.broadcast %sub3A_326 : f32 to vector<16xf32>
        %sub3A_328 = arith.subf %sub3A_327, %scan3A_321#0 : vector<16xf32>
        %max3A_329 = arith.constant 0.000000e+00 : f32
        %max3A_330 = vector.broadcast %max3A_329 : f32 to vector<16xf32>
        %max3A_331 = arith.maximumf %sub3A_328, %max3A_330 : vector<16xf32>
        %sub3A_332 = arith.constant 2.500000e-01 : f32
        %sub3A_333 = vector.broadcast %sub3A_332 : f32 to vector<16xf32>
        %sub3A_334 = arith.subf %scan3A_321#0, %sub3A_333 : vector<16xf32>
        %max3A_335 = arith.constant 0.000000e+00 : f32
        %max3A_336 = vector.broadcast %max3A_335 : f32 to vector<16xf32>
        %max3A_337 = arith.maximumf %sub3A_334, %max3A_336 : vector<16xf32>
        %add3A_338 = arith.addf %max3A_331, %max3A_337 : vector<16xf32>
        %add3A_339 = arith.addf %get3A_325, %add3A_338 : vector<16xf32>
        %sub3A_340 = arith.constant 5.000000e-02 : f32
        %sub3A_341 = vector.broadcast %sub3A_340 : f32 to vector<16xf32>
        %sub3A_342 = arith.subf %sub3A_341, %scan3A_321#1 : vector<16xf32>
        %max3A_343 = arith.constant 0.000000e+00 : f32
        %max3A_344 = vector.broadcast %max3A_343 : f32 to vector<16xf32>
        %max3A_345 = arith.maximumf %sub3A_342, %max3A_344 : vector<16xf32>
        %sub3A_346 = arith.constant 2.500000e-01 : f32
        %sub3A_347 = vector.broadcast %sub3A_346 : f32 to vector<16xf32>
        %sub3A_348 = arith.subf %scan3A_321#1, %sub3A_347 : vector<16xf32>
        %max3A_349 = arith.constant 0.000000e+00 : f32
        %max3A_350 = vector.broadcast %max3A_349 : f32 to vector<16xf32>
        %max3A_351 = arith.maximumf %sub3A_348, %max3A_350 : vector<16xf32>
        %add3A_352 = arith.addf %max3A_345, %max3A_351 : vector<16xf32>
        %add3A_353 = arith.addf %add3A_339, %add3A_352 : vector<16xf32>
        %sub3A_354 = arith.constant 5.000000e-02 : f32
        %sub3A_355 = vector.broadcast %sub3A_354 : f32 to vector<16xf32>
        %sub3A_356 = arith.subf %sub3A_355, %scan3A_321#2 : vector<16xf32>
        %max3A_357 = arith.constant 0.000000e+00 : f32
        %max3A_358 = vector.broadcast %max3A_357 : f32 to vector<16xf32>
        %max3A_359 = arith.maximumf %sub3A_356, %max3A_358 : vector<16xf32>
        %sub3A_360 = arith.constant 2.500000e-01 : f32
        %sub3A_361 = vector.broadcast %sub3A_360 : f32 to vector<16xf32>
        %sub3A_362 = arith.subf %scan3A_321#2, %sub3A_361 : vector<16xf32>
        %max3A_363 = arith.constant 0.000000e+00 : f32
        %max3A_364 = vector.broadcast %max3A_363 : f32 to vector<16xf32>
        %max3A_365 = arith.maximumf %sub3A_362, %max3A_364 : vector<16xf32>
        %add3A_366 = arith.addf %max3A_359, %max3A_365 : vector<16xf32>
        %add3A_367 = arith.addf %add3A_353, %add3A_366 : vector<16xf32>
        %swap3A_368 = arith.constant 0 : index
        %swap3A_369 = tpu.vector_load %arg6[%swap3A_368] {strides = array<i32>} : memref<16xf32, #tpu.memory_space<vmem>>, vector<16xf32>,
        %swap3A_370 = vector.shape_cast %swap3A_369 : vector<16xf32> to vector<16xf32>
        %swap3A_371 = vector.shape_cast %add3A_367 : vector<16xf32> to vector<16xf32>
        tpu.vector_store %arg6[%swap3A_368], %swap3A_371 {strides = array<i32>} : memref<16xf32, #tpu.memory_space<vmem>>, vector<16xf32>,
        %broadcast_in_dim3A_372 = arith.constant 0.000000e+00 : f32
        %broadcast_in_dim3A_373 = vector.broadcast %broadcast_in_dim3A_372 : f32 to vector<16xf32>
        %scan3A_374 = arith.constant 0 : i32
        %scan3A_375 = arith.constant 100 : i32
        %scan3A_376 = arith.addi %scan3A_374, %scan3A_375 : i32
        %scan3A_377 = arith.constant 1 : i32
        %scan3A_378:3 = scf.for %scan3A_486 = %scan3A_374 to %scan3A_376 step %scan3A_377 iter_args(%scan3A_487 = %broadcast_in_dim3A_373, %scan3A_488 = %broadcast_in_dim3A_373, %scan3A_489 = %broadcast_in_dim3A_373) -> (vector<16xf32>, vector<16xf32>, vector<16xf32>)  : i32 {
          %get3A_490 = arith.index_cast %scan3A_486 : i32 to index
          %get3A_491 = arith.constant 96 : index
          %get3A_492 = tpu.vector_load %arg4[%get3A_490, %get3A_491] {strides = array<i32>} : memref<300x128xf32, #tpu.memory_space<vmem>>, vector<1x16xf32>,
          %get3A_493 = vector.shape_cast %get3A_492 : vector<1x16xf32> to vector<16xf32>
          %add3A_494 = arith.constant 100 : i32
          %add3A_495 = arith.addi %scan3A_486, %add3A_494 : i32
          %get3A_496 = arith.index_cast %add3A_495 : i32 to index
          %get3A_497 = arith.constant 96 : index
          %get3A_498 = tpu.vector_load %arg4[%get3A_496, %get3A_497] {strides = array<i32>} : memref<300x128xf32, #tpu.memory_space<vmem>>, vector<1x16xf32>,
          %get3A_499 = vector.shape_cast %get3A_498 : vector<1x16xf32> to vector<16xf32>
          %add3A_500 = arith.constant 200 : i32
          %add3A_501 = arith.addi %scan3A_486, %add3A_500 : i32
          %get3A_502 = arith.index_cast %add3A_501 : i32 to index
          %get3A_503 = arith.constant 96 : index
          %get3A_504 = tpu.vector_load %arg4[%get3A_502, %get3A_503] {strides = array<i32>} : memref<300x128xf32, #tpu.memory_space<vmem>>, vector<1x16xf32>,
          %get3A_505 = vector.shape_cast %get3A_504 : vector<1x16xf32> to vector<16xf32>
          %sub3A_506 = arith.subf %get3A_493, %get3A_499 : vector<16xf32>
          %sub3A_507 = arith.subf %get3A_499, %get3A_505 : vector<16xf32>
          %sub3A_508 = arith.subf %get3A_505, %get3A_493 : vector<16xf32>
          %mul3A_509 = arith.mulf %sub3A_506, %sub3A_506 : vector<16xf32>
          %add3A_510 = arith.addf %scan3A_487, %mul3A_509 : vector<16xf32>
          %mul3A_511 = arith.mulf %sub3A_507, %sub3A_507 : vector<16xf32>
          %add3A_512 = arith.addf %scan3A_488, %mul3A_511 : vector<16xf32>
          %mul3A_513 = arith.mulf %sub3A_508, %sub3A_508 : vector<16xf32>
          %add3A_514 = arith.addf %scan3A_489, %mul3A_513 : vector<16xf32>
          scf.yield %add3A_510, %add3A_512, %add3A_514 : vector<16xf32>, vector<16xf32>, vector<16xf32>
        }
        %scan3A_379 = arith.constant 100 : i32
        %get3A_380 = arith.constant 0 : index
        %get3A_381 = tpu.vector_load %arg6[%get3A_380] {strides = array<i32>} : memref<16xf32, #tpu.memory_space<vmem>>, vector<16xf32>,
        %get3A_382 = vector.shape_cast %get3A_381 : vector<16xf32> to vector<16xf32>
        %sub3A_383 = arith.constant 5.000000e-02 : f32
        %sub3A_384 = vector.broadcast %sub3A_383 : f32 to vector<16xf32>
        %sub3A_385 = arith.subf %sub3A_384, %scan3A_378#0 : vector<16xf32>
        %max3A_386 = arith.constant 0.000000e+00 : f32
        %max3A_387 = vector.broadcast %max3A_386 : f32 to vector<16xf32>
        %max3A_388 = arith.maximumf %sub3A_385, %max3A_387 : vector<16xf32>
        %sub3A_389 = arith.constant 2.500000e-01 : f32
        %sub3A_390 = vector.broadcast %sub3A_389 : f32 to vector<16xf32>
        %sub3A_391 = arith.subf %scan3A_378#0, %sub3A_390 : vector<16xf32>
        %max3A_392 = arith.constant 0.000000e+00 : f32
        %max3A_393 = vector.broadcast %max3A_392 : f32 to vector<16xf32>
        %max3A_394 = arith.maximumf %sub3A_391, %max3A_393 : vector<16xf32>
        %add3A_395 = arith.addf %max3A_388, %max3A_394 : vector<16xf32>
        %add3A_396 = arith.addf %get3A_382, %add3A_395 : vector<16xf32>
        %sub3A_397 = arith.constant 5.000000e-02 : f32
        %sub3A_398 = vector.broadcast %sub3A_397 : f32 to vector<16xf32>
        %sub3A_399 = arith.subf %sub3A_398, %scan3A_378#1 : vector<16xf32>
        %max3A_400 = arith.constant 0.000000e+00 : f32
        %max3A_401 = vector.broadcast %max3A_400 : f32 to vector<16xf32>
        %max3A_402 = arith.maximumf %sub3A_399, %max3A_401 : vector<16xf32>
        %sub3A_403 = arith.constant 2.500000e-01 : f32
        %sub3A_404 = vector.broadcast %sub3A_403 : f32 to vector<16xf32>
        %sub3A_405 = arith.subf %scan3A_378#1, %sub3A_404 : vector<16xf32>
        %max3A_406 = arith.constant 0.000000e+00 : f32
        %max3A_407 = vector.broadcast %max3A_406 : f32 to vector<16xf32>
        %max3A_408 = arith.maximumf %sub3A_405, %max3A_407 : vector<16xf32>
        %add3A_409 = arith.addf %max3A_402, %max3A_408 : vector<16xf32>
        %add3A_410 = arith.addf %add3A_396, %add3A_409 : vector<16xf32>
        %sub3A_411 = arith.constant 5.000000e-02 : f32
        %sub3A_412 = vector.broadcast %sub3A_411 : f32 to vector<16xf32>
        %sub3A_413 = arith.subf %sub3A_412, %scan3A_378#2 : vector<16xf32>
        %max3A_414 = arith.constant 0.000000e+00 : f32
        %max3A_415 = vector.broadcast %max3A_414 : f32 to vector<16xf32>
        %max3A_416 = arith.maximumf %sub3A_413, %max3A_415 : vector<16xf32>
        %sub3A_417 = arith.constant 2.500000e-01 : f32
        %sub3A_418 = vector.broadcast %sub3A_417 : f32 to vector<16xf32>
        %sub3A_419 = arith.subf %scan3A_378#2, %sub3A_418 : vector<16xf32>
        %max3A_420 = arith.constant 0.000000e+00 : f32
        %max3A_421 = vector.broadcast %max3A_420 : f32 to vector<16xf32>
        %max3A_422 = arith.maximumf %sub3A_419, %max3A_421 : vector<16xf32>
        %add3A_423 = arith.addf %max3A_416, %max3A_422 : vector<16xf32>
        %add3A_424 = arith.addf %add3A_410, %add3A_423 : vector<16xf32>
        %swap3A_425 = arith.constant 0 : index
        %swap3A_426 = tpu.vector_load %arg6[%swap3A_425] {strides = array<i32>} : memref<16xf32, #tpu.memory_space<vmem>>, vector<16xf32>,
        %swap3A_427 = vector.shape_cast %swap3A_426 : vector<16xf32> to vector<16xf32>
        %swap3A_428 = vector.shape_cast %add3A_424 : vector<16xf32> to vector<16xf32>
        tpu.vector_store %arg6[%swap3A_425], %swap3A_428 {strides = array<i32>} : memref<16xf32, #tpu.memory_space<vmem>>, vector<16xf32>,
        %broadcast_in_dim3A_429 = arith.constant 0.000000e+00 : f32
        %broadcast_in_dim3A_430 = vector.broadcast %broadcast_in_dim3A_429 : f32 to vector<16xf32>
        %scan3A_431 = arith.constant 0 : i32
        %scan3A_432 = arith.constant 100 : i32
        %scan3A_433 = arith.addi %scan3A_431, %scan3A_432 : i32
        %scan3A_434 = arith.constant 1 : i32
        %scan3A_435:3 = scf.for %scan3A_486 = %scan3A_431 to %scan3A_433 step %scan3A_434 iter_args(%scan3A_487 = %broadcast_in_dim3A_430, %scan3A_488 = %broadcast_in_dim3A_430, %scan3A_489 = %broadcast_in_dim3A_430) -> (vector<16xf32>, vector<16xf32>, vector<16xf32>)  : i32 {
          %get3A_490 = arith.index_cast %scan3A_486 : i32 to index
          %get3A_491 = arith.constant 112 : index
          %get3A_492 = tpu.vector_load %arg4[%get3A_490, %get3A_491] {strides = array<i32>} : memref<300x128xf32, #tpu.memory_space<vmem>>, vector<1x16xf32>,
          %get3A_493 = vector.shape_cast %get3A_492 : vector<1x16xf32> to vector<16xf32>
          %add3A_494 = arith.constant 100 : i32
          %add3A_495 = arith.addi %scan3A_486, %add3A_494 : i32
          %get3A_496 = arith.index_cast %add3A_495 : i32 to index
          %get3A_497 = arith.constant 112 : index
          %get3A_498 = tpu.vector_load %arg4[%get3A_496, %get3A_497] {strides = array<i32>} : memref<300x128xf32, #tpu.memory_space<vmem>>, vector<1x16xf32>,
          %get3A_499 = vector.shape_cast %get3A_498 : vector<1x16xf32> to vector<16xf32>
          %add3A_500 = arith.constant 200 : i32
          %add3A_501 = arith.addi %scan3A_486, %add3A_500 : i32
          %get3A_502 = arith.index_cast %add3A_501 : i32 to index
          %get3A_503 = arith.constant 112 : index
          %get3A_504 = tpu.vector_load %arg4[%get3A_502, %get3A_503] {strides = array<i32>} : memref<300x128xf32, #tpu.memory_space<vmem>>, vector<1x16xf32>,
          %get3A_505 = vector.shape_cast %get3A_504 : vector<1x16xf32> to vector<16xf32>
          %sub3A_506 = arith.subf %get3A_493, %get3A_499 : vector<16xf32>
          %sub3A_507 = arith.subf %get3A_499, %get3A_505 : vector<16xf32>
          %sub3A_508 = arith.subf %get3A_505, %get3A_493 : vector<16xf32>
          %mul3A_509 = arith.mulf %sub3A_506, %sub3A_506 : vector<16xf32>
          %add3A_510 = arith.addf %scan3A_487, %mul3A_509 : vector<16xf32>
          %mul3A_511 = arith.mulf %sub3A_507, %sub3A_507 : vector<16xf32>
          %add3A_512 = arith.addf %scan3A_488, %mul3A_511 : vector<16xf32>
          %mul3A_513 = arith.mulf %sub3A_508, %sub3A_508 : vector<16xf32>
          %add3A_514 = arith.addf %scan3A_489, %mul3A_513 : vector<16xf32>
          scf.yield %add3A_510, %add3A_512, %add3A_514 : vector<16xf32>, vector<16xf32>, vector<16xf32>
        }
        %scan3A_436 = arith.constant 100 : i32
        %get3A_437 = arith.constant 0 : index
        %get3A_438 = tpu.vector_load %arg6[%get3A_437] {strides = array<i32>} : memref<16xf32, #tpu.memory_space<vmem>>, vector<16xf32>,
        %get3A_439 = vector.shape_cast %get3A_438 : vector<16xf32> to vector<16xf32>
        %sub3A_440 = arith.constant 5.000000e-02 : f32
        %sub3A_441 = vector.broadcast %sub3A_440 : f32 to vector<16xf32>
        %sub3A_442 = arith.subf %sub3A_441, %scan3A_435#0 : vector<16xf32>
        %max3A_443 = arith.constant 0.000000e+00 : f32
        %max3A_444 = vector.broadcast %max3A_443 : f32 to vector<16xf32>
        %max3A_445 = arith.maximumf %sub3A_442, %max3A_444 : vector<16xf32>
        %sub3A_446 = arith.constant 2.500000e-01 : f32
        %sub3A_447 = vector.broadcast %sub3A_446 : f32 to vector<16xf32>
        %sub3A_448 = arith.subf %scan3A_435#0, %sub3A_447 : vector<16xf32>
        %max3A_449 = arith.constant 0.000000e+00 : f32
        %max3A_450 = vector.broadcast %max3A_449 : f32 to vector<16xf32>
        %max3A_451 = arith.maximumf %sub3A_448, %max3A_450 : vector<16xf32>
        %add3A_452 = arith.addf %max3A_445, %max3A_451 : vector<16xf32>
        %add3A_453 = arith.addf %get3A_439, %add3A_452 : vector<16xf32>
        %sub3A_454 = arith.constant 5.000000e-02 : f32
        %sub3A_455 = vector.broadcast %sub3A_454 : f32 to vector<16xf32>
        %sub3A_456 = arith.subf %sub3A_455, %scan3A_435#1 : vector<16xf32>
        %max3A_457 = arith.constant 0.000000e+00 : f32
        %max3A_458 = vector.broadcast %max3A_457 : f32 to vector<16xf32>
        %max3A_459 = arith.maximumf %sub3A_456, %max3A_458 : vector<16xf32>
        %sub3A_460 = arith.constant 2.500000e-01 : f32
        %sub3A_461 = vector.broadcast %sub3A_460 : f32 to vector<16xf32>
        %sub3A_462 = arith.subf %scan3A_435#1, %sub3A_461 : vector<16xf32>
        %max3A_463 = arith.constant 0.000000e+00 : f32
        %max3A_464 = vector.broadcast %max3A_463 : f32 to vector<16xf32>
        %max3A_465 = arith.maximumf %sub3A_462, %max3A_464 : vector<16xf32>
        %add3A_466 = arith.addf %max3A_459, %max3A_465 : vector<16xf32>
        %add3A_467 = arith.addf %add3A_453, %add3A_466 : vector<16xf32>
        %sub3A_468 = arith.constant 5.000000e-02 : f32
        %sub3A_469 = vector.broadcast %sub3A_468 : f32 to vector<16xf32>
        %sub3A_470 = arith.subf %sub3A_469, %scan3A_435#2 : vector<16xf32>
        %max3A_471 = arith.constant 0.000000e+00 : f32
        %max3A_472 = vector.broadcast %max3A_471 : f32 to vector<16xf32>
        %max3A_473 = arith.maximumf %sub3A_470, %max3A_472 : vector<16xf32>
        %sub3A_474 = arith.constant 2.500000e-01 : f32
        %sub3A_475 = vector.broadcast %sub3A_474 : f32 to vector<16xf32>
        %sub3A_476 = arith.subf %scan3A_435#2, %sub3A_475 : vector<16xf32>
        %max3A_477 = arith.constant 0.000000e+00 : f32
        %max3A_478 = vector.broadcast %max3A_477 : f32 to vector<16xf32>
        %max3A_479 = arith.maximumf %sub3A_476, %max3A_478 : vector<16xf32>
        %add3A_480 = arith.addf %max3A_473, %max3A_479 : vector<16xf32>
        %add3A_481 = arith.addf %add3A_467, %add3A_480 : vector<16xf32>
        %swap3A_482 = arith.constant 0 : index
        %swap3A_483 = tpu.vector_load %arg6[%swap3A_482] {strides = array<i32>} : memref<16xf32, #tpu.memory_space<vmem>>, vector<16xf32>,
        %swap3A_484 = vector.shape_cast %swap3A_483 : vector<16xf32> to vector<16xf32>
        %swap3A_485 = vector.shape_cast %add3A_481 : vector<16xf32> to vector<16xf32>
        tpu.vector_store %arg6[%swap3A_482], %swap3A_485 {strides = array<i32>} : memref<16xf32, #tpu.memory_space<vmem>>, vector<16xf32>,
      } else {
      }
    }
    %scan3A_8 = arith.constant 5 : i32
    %eq3A = arith.constant 31 : i32
    %eq3A_9 = arith.cmpi eq, %add3A, %eq3A : i32
    %convert_element_type3A = arith.extui %eq3A_9 : i1 to i32
    %cond3A = arith.constant 0 : i32
    %cond3A_10 = arith.cmpi ne, %convert_element_type3A, %cond3A : i32
    scf.if %cond3A_10 {
      "tpu.region"() ({
        %run_scoped3A = tpu.sem_alloc : memref<!tpu.dma_semaphore, #tpu.memory_space<semaphore_mem>>
        %dma_start3A = arith.constant 0 : i32
        %dma_start3A_132 = arith.constant 99968 : i32
        %dma_start3A_133 = tpu.memref_slice %arg2[%dma_start3A, %dma_start3A_132] : memref<300x100000xf32, #tpu.memory_space<hbm>> -> memref<300x32xf32, #tpu.memory_space<hbm>>
        %dma_start3A_134 = arith.constant 0 : i32
        %dma_start3A_135 = arith.constant 99968 : i32
        %dma_start3A_136 = tpu.memref_slice %arg2[%dma_start3A_134, %dma_start3A_135] : memref<300x100000xf32, #tpu.memory_space<hbm>> -> memref<300x32xf32, #tpu.memory_space<hbm>>
        tpu.enqueue_dma source(%dma_start3A_136 : memref<300x32xf32, #tpu.memory_space<hbm>>) target(%arg5 : memref<300x32xf32, #tpu.memory_space<vmem>>) target_semaphore(%run_scoped3A : memref<!tpu.dma_semaphore, #tpu.memory_space<semaphore_mem>>)
        %dma_wait3A = arith.constant 0 : i32
        %dma_wait3A_137 = arith.constant 99968 : i32
        %dma_wait3A_138 = tpu.memref_slice %arg2[%dma_wait3A, %dma_wait3A_137] : memref<300x100000xf32, #tpu.memory_space<hbm>> -> memref<300x32xf32, #tpu.memory_space<hbm>>
        %dma_wait3A_139 = arith.constant 0 : i32
        %dma_wait3A_140 = arith.constant 99968 : i32
        %dma_wait3A_141 = tpu.memref_slice %arg2[%dma_wait3A_139, %dma_wait3A_140] : memref<300x100000xf32, #tpu.memory_space<hbm>> -> memref<300x32xf32, #tpu.memory_space<hbm>>
        tpu.wait_dma2 semaphore(%run_scoped3A : memref<!tpu.dma_semaphore, #tpu.memory_space<semaphore_mem>>) src(%dma_wait3A_141 : memref<300x32xf32, #tpu.memory_space<hbm>>) dst(%arg5 : memref<300x32xf32, #tpu.memory_space<vmem>>)
        tpu.yield
      }) : () -> ()
      %broadcast_in_dim3A_20 = arith.constant 0.000000e+00 : f32
      %broadcast_in_dim3A_21 = vector.broadcast %broadcast_in_dim3A_20 : f32 to vector<16xf32>
      %scan3A_22 = arith.constant 0 : i32
      %scan3A_23 = arith.constant 100 : i32
      %scan3A_24 = arith.addi %scan3A_22, %scan3A_23 : i32
      %scan3A_25 = arith.constant 1 : i32
      %scan3A_26:3 = scf.for %scan3A_132 = %scan3A_22 to %scan3A_24 step %scan3A_25 iter_args(%scan3A_133 = %broadcast_in_dim3A_21, %scan3A_134 = %broadcast_in_dim3A_21, %scan3A_135 = %broadcast_in_dim3A_21) -> (vector<16xf32>, vector<16xf32>, vector<16xf32>)  : i32 {
        %get3A_136 = arith.index_cast %scan3A_132 : i32 to index
        %get3A_137 = arith.constant 0 : index
        %get3A_138 = tpu.vector_load %arg5[%get3A_136, %get3A_137] {strides = array<i32>} : memref<300x32xf32, #tpu.memory_space<vmem>>, vector<1x16xf32>,
        %get3A_139 = vector.shape_cast %get3A_138 : vector<1x16xf32> to vector<16xf32>
        %add3A_140 = arith.constant 100 : i32
        %add3A_141 = arith.addi %scan3A_132, %add3A_140 : i32
        %get3A_142 = arith.index_cast %add3A_141 : i32 to index
        %get3A_143 = arith.constant 0 : index
        %get3A_144 = tpu.vector_load %arg5[%get3A_142, %get3A_143] {strides = array<i32>} : memref<300x32xf32, #tpu.memory_space<vmem>>, vector<1x16xf32>,
        %get3A_145 = vector.shape_cast %get3A_144 : vector<1x16xf32> to vector<16xf32>
        %add3A_146 = arith.constant 200 : i32
        %add3A_147 = arith.addi %scan3A_132, %add3A_146 : i32
        %get3A_148 = arith.index_cast %add3A_147 : i32 to index
        %get3A_149 = arith.constant 0 : index
        %get3A_150 = tpu.vector_load %arg5[%get3A_148, %get3A_149] {strides = array<i32>} : memref<300x32xf32, #tpu.memory_space<vmem>>, vector<1x16xf32>,
        %get3A_151 = vector.shape_cast %get3A_150 : vector<1x16xf32> to vector<16xf32>
        %sub3A_152 = arith.subf %get3A_139, %get3A_145 : vector<16xf32>
        %sub3A_153 = arith.subf %get3A_145, %get3A_151 : vector<16xf32>
        %sub3A_154 = arith.subf %get3A_151, %get3A_139 : vector<16xf32>
        %mul3A_155 = arith.mulf %sub3A_152, %sub3A_152 : vector<16xf32>
        %add3A_156 = arith.addf %scan3A_133, %mul3A_155 : vector<16xf32>
        %mul3A_157 = arith.mulf %sub3A_153, %sub3A_153 : vector<16xf32>
        %add3A_158 = arith.addf %scan3A_134, %mul3A_157 : vector<16xf32>
        %mul3A_159 = arith.mulf %sub3A_154, %sub3A_154 : vector<16xf32>
        %add3A_160 = arith.addf %scan3A_135, %mul3A_159 : vector<16xf32>
        scf.yield %add3A_156, %add3A_158, %add3A_160 : vector<16xf32>, vector<16xf32>, vector<16xf32>
      }
      %scan3A_27 = arith.constant 100 : i32
      %get3A_28 = arith.constant 0 : index
      %get3A_29 = tpu.vector_load %arg6[%get3A_28] {strides = array<i32>} : memref<16xf32, #tpu.memory_space<vmem>>, vector<16xf32>,
      %get3A_30 = vector.shape_cast %get3A_29 : vector<16xf32> to vector<16xf32>
      %sub3A = arith.constant 5.000000e-02 : f32
      %sub3A_31 = vector.broadcast %sub3A : f32 to vector<16xf32>
      %sub3A_32 = arith.subf %sub3A_31, %scan3A_26#0 : vector<16xf32>
      %max3A = arith.constant 0.000000e+00 : f32
      %max3A_33 = vector.broadcast %max3A : f32 to vector<16xf32>
      %max3A_34 = arith.maximumf %sub3A_32, %max3A_33 : vector<16xf32>
      %sub3A_35 = arith.constant 2.500000e-01 : f32
      %sub3A_36 = vector.broadcast %sub3A_35 : f32 to vector<16xf32>
      %sub3A_37 = arith.subf %scan3A_26#0, %sub3A_36 : vector<16xf32>
      %max3A_38 = arith.constant 0.000000e+00 : f32
      %max3A_39 = vector.broadcast %max3A_38 : f32 to vector<16xf32>
      %max3A_40 = arith.maximumf %sub3A_37, %max3A_39 : vector<16xf32>
      %add3A_41 = arith.addf %max3A_34, %max3A_40 : vector<16xf32>
      %add3A_42 = arith.addf %get3A_30, %add3A_41 : vector<16xf32>
      %sub3A_43 = arith.constant 5.000000e-02 : f32
      %sub3A_44 = vector.broadcast %sub3A_43 : f32 to vector<16xf32>
      %sub3A_45 = arith.subf %sub3A_44, %scan3A_26#1 : vector<16xf32>
      %max3A_46 = arith.constant 0.000000e+00 : f32
      %max3A_47 = vector.broadcast %max3A_46 : f32 to vector<16xf32>
      %max3A_48 = arith.maximumf %sub3A_45, %max3A_47 : vector<16xf32>
      %sub3A_49 = arith.constant 2.500000e-01 : f32
      %sub3A_50 = vector.broadcast %sub3A_49 : f32 to vector<16xf32>
      %sub3A_51 = arith.subf %scan3A_26#1, %sub3A_50 : vector<16xf32>
      %max3A_52 = arith.constant 0.000000e+00 : f32
      %max3A_53 = vector.broadcast %max3A_52 : f32 to vector<16xf32>
      %max3A_54 = arith.maximumf %sub3A_51, %max3A_53 : vector<16xf32>
      %add3A_55 = arith.addf %max3A_48, %max3A_54 : vector<16xf32>
      %add3A_56 = arith.addf %add3A_42, %add3A_55 : vector<16xf32>
      %sub3A_57 = arith.constant 5.000000e-02 : f32
      %sub3A_58 = vector.broadcast %sub3A_57 : f32 to vector<16xf32>
      %sub3A_59 = arith.subf %sub3A_58, %scan3A_26#2 : vector<16xf32>
      %max3A_60 = arith.constant 0.000000e+00 : f32
      %max3A_61 = vector.broadcast %max3A_60 : f32 to vector<16xf32>
      %max3A_62 = arith.maximumf %sub3A_59, %max3A_61 : vector<16xf32>
      %sub3A_63 = arith.constant 2.500000e-01 : f32
      %sub3A_64 = vector.broadcast %sub3A_63 : f32 to vector<16xf32>
      %sub3A_65 = arith.subf %scan3A_26#2, %sub3A_64 : vector<16xf32>
      %max3A_66 = arith.constant 0.000000e+00 : f32
      %max3A_67 = vector.broadcast %max3A_66 : f32 to vector<16xf32>
      %max3A_68 = arith.maximumf %sub3A_65, %max3A_67 : vector<16xf32>
      %add3A_69 = arith.addf %max3A_62, %max3A_68 : vector<16xf32>
      %add3A_70 = arith.addf %add3A_56, %add3A_69 : vector<16xf32>
      %swap3A_71 = arith.constant 0 : index
      %swap3A_72 = tpu.vector_load %arg6[%swap3A_71] {strides = array<i32>} : memref<16xf32, #tpu.memory_space<vmem>>, vector<16xf32>,
      %swap3A_73 = vector.shape_cast %swap3A_72 : vector<16xf32> to vector<16xf32>
      %swap3A_74 = vector.shape_cast %add3A_70 : vector<16xf32> to vector<16xf32>
      tpu.vector_store %arg6[%swap3A_71], %swap3A_74 {strides = array<i32>} : memref<16xf32, #tpu.memory_space<vmem>>, vector<16xf32>,
      %broadcast_in_dim3A_75 = arith.constant 0.000000e+00 : f32
      %broadcast_in_dim3A_76 = vector.broadcast %broadcast_in_dim3A_75 : f32 to vector<16xf32>
      %scan3A_77 = arith.constant 0 : i32
      %scan3A_78 = arith.constant 100 : i32
      %scan3A_79 = arith.addi %scan3A_77, %scan3A_78 : i32
      %scan3A_80 = arith.constant 1 : i32
      %scan3A_81:3 = scf.for %scan3A_132 = %scan3A_77 to %scan3A_79 step %scan3A_80 iter_args(%scan3A_133 = %broadcast_in_dim3A_76, %scan3A_134 = %broadcast_in_dim3A_76, %scan3A_135 = %broadcast_in_dim3A_76) -> (vector<16xf32>, vector<16xf32>, vector<16xf32>)  : i32 {
        %get3A_136 = arith.index_cast %scan3A_132 : i32 to index
        %get3A_137 = arith.constant 16 : index
        %get3A_138 = tpu.vector_load %arg5[%get3A_136, %get3A_137] {strides = array<i32>} : memref<300x32xf32, #tpu.memory_space<vmem>>, vector<1x16xf32>,
        %get3A_139 = vector.shape_cast %get3A_138 : vector<1x16xf32> to vector<16xf32>
        %add3A_140 = arith.constant 100 : i32
        %add3A_141 = arith.addi %scan3A_132, %add3A_140 : i32
        %get3A_142 = arith.index_cast %add3A_141 : i32 to index
        %get3A_143 = arith.constant 16 : index
        %get3A_144 = tpu.vector_load %arg5[%get3A_142, %get3A_143] {strides = array<i32>} : memref<300x32xf32, #tpu.memory_space<vmem>>, vector<1x16xf32>,
        %get3A_145 = vector.shape_cast %get3A_144 : vector<1x16xf32> to vector<16xf32>
        %add3A_146 = arith.constant 200 : i32
        %add3A_147 = arith.addi %scan3A_132, %add3A_146 : i32
        %get3A_148 = arith.index_cast %add3A_147 : i32 to index
        %get3A_149 = arith.constant 16 : index
        %get3A_150 = tpu.vector_load %arg5[%get3A_148, %get3A_149] {strides = array<i32>} : memref<300x32xf32, #tpu.memory_space<vmem>>, vector<1x16xf32>,
        %get3A_151 = vector.shape_cast %get3A_150 : vector<1x16xf32> to vector<16xf32>
        %sub3A_152 = arith.subf %get3A_139, %get3A_145 : vector<16xf32>
        %sub3A_153 = arith.subf %get3A_145, %get3A_151 : vector<16xf32>
        %sub3A_154 = arith.subf %get3A_151, %get3A_139 : vector<16xf32>
        %mul3A_155 = arith.mulf %sub3A_152, %sub3A_152 : vector<16xf32>
        %add3A_156 = arith.addf %scan3A_133, %mul3A_155 : vector<16xf32>
        %mul3A_157 = arith.mulf %sub3A_153, %sub3A_153 : vector<16xf32>
        %add3A_158 = arith.addf %scan3A_134, %mul3A_157 : vector<16xf32>
        %mul3A_159 = arith.mulf %sub3A_154, %sub3A_154 : vector<16xf32>
        %add3A_160 = arith.addf %scan3A_135, %mul3A_159 : vector<16xf32>
        scf.yield %add3A_156, %add3A_158, %add3A_160 : vector<16xf32>, vector<16xf32>, vector<16xf32>
      }
      %scan3A_82 = arith.constant 100 : i32
      %get3A_83 = arith.constant 0 : index
      %get3A_84 = tpu.vector_load %arg6[%get3A_83] {strides = array<i32>} : memref<16xf32, #tpu.memory_space<vmem>>, vector<16xf32>,
      %get3A_85 = vector.shape_cast %get3A_84 : vector<16xf32> to vector<16xf32>
      %sub3A_86 = arith.constant 5.000000e-02 : f32
      %sub3A_87 = vector.broadcast %sub3A_86 : f32 to vector<16xf32>
      %sub3A_88 = arith.subf %sub3A_87, %scan3A_81#0 : vector<16xf32>
      %max3A_89 = arith.constant 0.000000e+00 : f32
      %max3A_90 = vector.broadcast %max3A_89 : f32 to vector<16xf32>
      %max3A_91 = arith.maximumf %sub3A_88, %max3A_90 : vector<16xf32>
      %sub3A_92 = arith.constant 2.500000e-01 : f32
      %sub3A_93 = vector.broadcast %sub3A_92 : f32 to vector<16xf32>
      %sub3A_94 = arith.subf %scan3A_81#0, %sub3A_93 : vector<16xf32>
      %max3A_95 = arith.constant 0.000000e+00 : f32
      %max3A_96 = vector.broadcast %max3A_95 : f32 to vector<16xf32>
      %max3A_97 = arith.maximumf %sub3A_94, %max3A_96 : vector<16xf32>
      %add3A_98 = arith.addf %max3A_91, %max3A_97 : vector<16xf32>
      %add3A_99 = arith.addf %get3A_85, %add3A_98 : vector<16xf32>
      %sub3A_100 = arith.constant 5.000000e-02 : f32
      %sub3A_101 = vector.broadcast %sub3A_100 : f32 to vector<16xf32>
      %sub3A_102 = arith.subf %sub3A_101, %scan3A_81#1 : vector<16xf32>
      %max3A_103 = arith.constant 0.000000e+00 : f32
      %max3A_104 = vector.broadcast %max3A_103 : f32 to vector<16xf32>
      %max3A_105 = arith.maximumf %sub3A_102, %max3A_104 : vector<16xf32>
      %sub3A_106 = arith.constant 2.500000e-01 : f32
      %sub3A_107 = vector.broadcast %sub3A_106 : f32 to vector<16xf32>
      %sub3A_108 = arith.subf %scan3A_81#1, %sub3A_107 : vector<16xf32>
      %max3A_109 = arith.constant 0.000000e+00 : f32
      %max3A_110 = vector.broadcast %max3A_109 : f32 to vector<16xf32>
      %max3A_111 = arith.maximumf %sub3A_108, %max3A_110 : vector<16xf32>
      %add3A_112 = arith.addf %max3A_105, %max3A_111 : vector<16xf32>
      %add3A_113 = arith.addf %add3A_99, %add3A_112 : vector<16xf32>
      %sub3A_114 = arith.constant 5.000000e-02 : f32
      %sub3A_115 = vector.broadcast %sub3A_114 : f32 to vector<16xf32>
      %sub3A_116 = arith.subf %sub3A_115, %scan3A_81#2 : vector<16xf32>
      %max3A_117 = arith.constant 0.000000e+00 : f32
      %max3A_118 = vector.broadcast %max3A_117 : f32 to vector<16xf32>
      %max3A_119 = arith.maximumf %sub3A_116, %max3A_118 : vector<16xf32>
      %sub3A_120 = arith.constant 2.500000e-01 : f32
      %sub3A_121 = vector.broadcast %sub3A_120 : f32 to vector<16xf32>
      %sub3A_122 = arith.subf %scan3A_81#2, %sub3A_121 : vector<16xf32>
      %max3A_123 = arith.constant 0.000000e+00 : f32
      %max3A_124 = vector.broadcast %max3A_123 : f32 to vector<16xf32>
      %max3A_125 = arith.maximumf %sub3A_122, %max3A_124 : vector<16xf32>
      %add3A_126 = arith.addf %max3A_119, %max3A_125 : vector<16xf32>
      %add3A_127 = arith.addf %add3A_113, %add3A_126 : vector<16xf32>
      %swap3A_128 = arith.constant 0 : index
      %swap3A_129 = tpu.vector_load %arg6[%swap3A_128] {strides = array<i32>} : memref<16xf32, #tpu.memory_space<vmem>>, vector<16xf32>,
      %swap3A_130 = vector.shape_cast %swap3A_129 : vector<16xf32> to vector<16xf32>
      %swap3A_131 = vector.shape_cast %add3A_127 : vector<16xf32> to vector<16xf32>
      tpu.vector_store %arg6[%swap3A_128], %swap3A_131 {strides = array<i32>} : memref<16xf32, #tpu.memory_space<vmem>>, vector<16xf32>,
    } else {
    }
    %get3A = arith.constant 0 : index
    %get3A_11 = tpu.vector_load %arg6[%get3A] {strides = array<i32>} : memref<16xf32, #tpu.memory_space<vmem>>, vector<16xf32>,
    %get3A_12 = vector.shape_cast %get3A_11 : vector<16xf32> to vector<16xf32>
    %mul3A_13 = arith.constant 2.22222225E-5 : f32
    %mul3A_14 = vector.broadcast %mul3A_13 : f32 to vector<16xf32>
    %mul3A_15 = arith.mulf %get3A_12, %mul3A_14 : vector<16xf32>
    %swap3A_16 = arith.constant 0 : index
    %swap3A_17 = tpu.vector_load %arg6[%swap3A_16] {strides = array<i32>} : memref<16xf32, #tpu.memory_space<vmem>>, vector<16xf32>,
    %swap3A_18 = vector.shape_cast %swap3A_17 : vector<16xf32> to vector<16xf32>
    %swap3A_19 = vector.shape_cast %mul3A_15 : vector<16xf32> to vector<16xf32>
    tpu.vector_store %arg6[%swap3A_16], %swap3A_19 {strides = array<i32>} : memref<16xf32, #tpu.memory_space<vmem>>, vector<16xf32>,
    "tpu.region"() ({
      %run_scoped3A = tpu.sem_alloc : memref<!tpu.dma_semaphore, #tpu.memory_space<semaphore_mem>>
      %dma_start3A = arith.constant 0 : i32
      %dma_start3A_20 = tpu.memref_slice %arg3[%add3A, %dma_start3A] : memref<32x16xf32, #tpu.memory_space<hbm>> -> memref<1x16xf32, #tpu.memory_space<hbm>>
      %dma_start3A_21 = tpu.memref_squeeze %dma_start3A_20 : memref<1x16xf32, #tpu.memory_space<hbm>> -> memref<16xf32, #tpu.memory_space<hbm>>
      %dma_start3A_22 = arith.constant 0 : i32
      %dma_start3A_23 = tpu.memref_slice %arg3[%add3A, %dma_start3A_22] : memref<32x16xf32, #tpu.memory_space<hbm>> -> memref<1x16xf32, #tpu.memory_space<hbm>>
      %dma_start3A_24 = tpu.memref_squeeze %dma_start3A_23 : memref<1x16xf32, #tpu.memory_space<hbm>> -> memref<16xf32, #tpu.memory_space<hbm>>
      tpu.enqueue_dma source(%arg6 : memref<16xf32, #tpu.memory_space<vmem>>) target(%dma_start3A_24 : memref<16xf32, #tpu.memory_space<hbm>>) target_semaphore(%run_scoped3A : memref<!tpu.dma_semaphore, #tpu.memory_space<semaphore_mem>>)
      %dma_wait3A = arith.constant 0 : i32
      %dma_wait3A_25 = tpu.memref_slice %arg3[%add3A, %dma_wait3A] : memref<32x16xf32, #tpu.memory_space<hbm>> -> memref<1x16xf32, #tpu.memory_space<hbm>>
      %dma_wait3A_26 = tpu.memref_squeeze %dma_wait3A_25 : memref<1x16xf32, #tpu.memory_space<hbm>> -> memref<16xf32, #tpu.memory_space<hbm>>
      %dma_wait3A_27 = arith.constant 0 : i32
      %dma_wait3A_28 = tpu.memref_slice %arg3[%add3A, %dma_wait3A_27] : memref<32x16xf32, #tpu.memory_space<hbm>> -> memref<1x16xf32, #tpu.memory_space<hbm>>
      %dma_wait3A_29 = tpu.memref_squeeze %dma_wait3A_28 : memref<1x16xf32, #tpu.memory_space<hbm>> -> memref<16xf32, #tpu.memory_space<hbm>>
      tpu.wait_dma2 semaphore(%run_scoped3A : memref<!tpu.dma_semaphore, #tpu.memory_space<semaphore_mem>>) src(%arg6 : memref<16xf32, #tpu.memory_space<vmem>>) dst(%dma_wait3A_29 : memref<16xf32, #tpu.memory_space<hbm>>)
      tpu.yield
    }) : () -> ()
    return
  }
}

module attributes {stable_mosaic.version = 14 : i64} {
  func.func @_tc_body(%arg0: i32, %arg1: memref<300x8192xf32, #tpu.memory_space<vmem>>, %arg2: memref<3x300xf32, #tpu.memory_space<vmem>>, %arg3: memref<1x1xf32, #tpu.memory_space<smem>>) attributes {dimension_semantics = [#tpu.dimension_semantics<arbitrary>], iteration_bounds = array<i64: 10>, scalar_prefetch = 0 : i64, scratch_operands = 0 : i64, tpu.core_type = #tpu.core_type<tc>, window_params = [{transform_indices = @transform_0, window_bounds = array<i64: 300, 8192>}, {pipeline_mode = #tpu.pipeline_mode<synchronous>, transform_indices = @transform_1, window_bounds = array<i64: 3, 300>}, {transform_indices = @transform_2, window_bounds = array<i64: 1, 1>}]} {
    %get3A = arith.constant 0 : index
    %get3A_0 = arith.constant 0 : index
    %get3A_1 = vector.load %arg1[%get3A, %get3A_0] : memref<300x8192xf32, #tpu.memory_space<vmem>>, vector<300x8192xf32>
    %slice3A = vector.extract_strided_slice %get3A_1 {offsets = [100, 0], sizes = [200, 8192], strides = [1, 1]} : vector<300x8192xf32> to vector<200x8192xf32>
    %slice3A_2 = vector.extract_strided_slice %get3A_1 {offsets = [0, 0], sizes = [100, 8192], strides = [1, 1]} : vector<300x8192xf32> to vector<100x8192xf32>
    %concatenate3A = tpu.concatenate %slice3A, %slice3A_2 in 0 : vector<200x8192xf32>, vector<100x8192xf32> -> vector<300x8192xf32>
    %sub3A = arith.subf %get3A_1, %concatenate3A : vector<300x8192xf32>
    %integer_pow3A = arith.mulf %sub3A, %sub3A : vector<300x8192xf32>
    %get3A_3 = arith.constant 0 : index
    %get3A_4 = arith.constant 0 : index
    %get3A_5 = vector.load %arg2[%get3A_3, %get3A_4] : memref<3x300xf32, #tpu.memory_space<vmem>>, vector<3x300xf32>
    %dot_general3A = arith.constant dense<0.000000e+00> : vector<3x8192xf32>
    %dot_general3A_6 = tpu.matmul %get3A_5, %integer_pow3A, %dot_general3A {dimension_numbers = #tpu.dot_dimension_numbers<[1], [0], [0], [1], [0, 0, 1, 1], [], []>, transpose_lhs_hint = false} : vector<3x300xf32>, vector<300x8192xf32>, vector<3x8192xf32> -> vector<3x8192xf32>
    %sub3A_7 = arith.constant 5.000000e-02 : f32
    %sub3A_8 = vector.broadcast %sub3A_7 : f32 to vector<3x8192xf32>
    %sub3A_9 = arith.subf %sub3A_8, %dot_general3A_6 : vector<3x8192xf32>
    %max3A = arith.constant 0.000000e+00 : f32
    %max3A_10 = vector.broadcast %max3A : f32 to vector<3x8192xf32>
    %max3A_11 = arith.maximumf %sub3A_9, %max3A_10 : vector<3x8192xf32>
    %sub3A_12 = arith.constant 2.500000e-01 : f32
    %sub3A_13 = vector.broadcast %sub3A_12 : f32 to vector<3x8192xf32>
    %sub3A_14 = arith.subf %dot_general3A_6, %sub3A_13 : vector<3x8192xf32>
    %max3A_15 = arith.constant 0.000000e+00 : f32
    %max3A_16 = vector.broadcast %max3A_15 : f32 to vector<3x8192xf32>
    %max3A_17 = arith.maximumf %sub3A_14, %max3A_16 : vector<3x8192xf32>
    %add3A = arith.addf %max3A_11, %max3A_17 : vector<3x8192xf32>
    %reduce_sum3A = vector.shape_cast %add3A : vector<3x8192xf32> to vector<1x3x8192xf32>
    %reduce_sum3A_18 = arith.constant dense<0.000000e+00> : vector<1xf32>
    %reduce_sum3A_19 = vector.multi_reduction <add>, %reduce_sum3A, %reduce_sum3A_18 [1, 2] : vector<1x3x8192xf32> to vector<1xf32>
    %reduce_sum3A_20 = vector.shape_cast %reduce_sum3A_19 : vector<1xf32> to vector<1x1x1xf32>
    %reduce_sum3A_21 = vector.extract %reduce_sum3A_20[0, 0, 0] : f32 from vector<1x1x1xf32>
    %eq3A = arith.constant 0 : i32
    %eq3A_22 = arith.cmpi eq, %arg0, %eq3A : i32
    %convert_element_type3A = arith.extui %eq3A_22 : i1 to i32
    %cond3A = arith.constant 0 : i32
    %cond3A_23 = arith.cmpi ne, %convert_element_type3A, %cond3A : i32
    scf.if %cond3A_23 {
      %swap3A_35 = arith.constant 0.000000e+00 : f32
      %swap3A_36 = arith.constant 0 : index
      %swap3A_37 = arith.constant 0 : index
      %swap3A_38 = memref.load %arg3[%swap3A_36, %swap3A_37] : memref<1x1xf32, #tpu.memory_space<smem>>
      memref.store %swap3A_35, %arg3[%swap3A_36, %swap3A_37] : memref<1x1xf32, #tpu.memory_space<smem>>
    } else {
    }
    %get3A_24 = arith.constant 0 : index
    %get3A_25 = arith.constant 0 : index
    %get3A_26 = memref.load %arg3[%get3A_24, %get3A_25] : memref<1x1xf32, #tpu.memory_space<smem>>
    %add3A_27 = arith.addf %get3A_26, %reduce_sum3A_21 : f32
    %swap3A = arith.constant 0 : index
    %swap3A_28 = arith.constant 0 : index
    %swap3A_29 = memref.load %arg3[%swap3A, %swap3A_28] : memref<1x1xf32, #tpu.memory_space<smem>>
    memref.store %add3A_27, %arg3[%swap3A, %swap3A_28] : memref<1x1xf32, #tpu.memory_space<smem>>
    %eq3A_30 = arith.constant 9 : i32
    %eq3A_31 = arith.cmpi eq, %arg0, %eq3A_30 : i32
    %convert_element_type3A_32 = arith.extui %eq3A_31 : i1 to i32
    %cond3A_33 = arith.constant 0 : i32
    %cond3A_34 = arith.cmpi ne, %convert_element_type3A_32, %cond3A_33 : i32
    scf.if %cond3A_34 {
      %get3A_35 = arith.constant 0 : index
      %get3A_36 = arith.constant 0 : index
      %get3A_37 = memref.load %arg3[%get3A_35, %get3A_36] : memref<1x1xf32, #tpu.memory_space<smem>>
      %mul3A = arith.constant 2.22222225E-5 : f32
      %mul3A_38 = arith.mulf %get3A_37, %mul3A : f32
      %swap3A_39 = arith.constant 0 : index
      %swap3A_40 = arith.constant 0 : index
      %swap3A_41 = memref.load %arg3[%swap3A_39, %swap3A_40] : memref<1x1xf32, #tpu.memory_space<smem>>
      memref.store %mul3A_38, %arg3[%swap3A_39, %swap3A_40] : memref<1x1xf32, #tpu.memory_space<smem>>
    } else {
    }
    return
  }
  func.func @transform_0(%arg0: i32) -> (i32, i32) {
    %c0_i32 = arith.constant 0 : i32
    %c0_i32_0 = arith.constant 0 : i32
    return %c0_i32, %arg0 : i32, i32
  }
  func.func @transform_1(%arg0: i32) -> (i32, i32) {
    %c0_i32 = arith.constant 0 : i32
    %c0_i32_0 = arith.constant 0 : i32
    %c0_i32_1 = arith.constant 0 : i32
    return %c0_i32, %c0_i32_0 : i32, i32
  }
  func.func @transform_2(%arg0: i32) -> (i32, i32) {
    %c0_i32 = arith.constant 0 : i32
    %c0_i32_0 = arith.constant 0 : i32
    %c0_i32_1 = arith.constant 0 : i32
    return %c0_i32, %c0_i32_0 : i32, i32
  }
}

</mosaic_0001>

<sc_bundles>
// kernel: kernel.4.cloned.1.call-start
scs
__scs_entry_jumppad:
0x0: {  	(pc) =	sbr.rel $0x88, $3  }
0x1: {  	(tag) =	ssettag $0x0;
	lr =	simm.s32 $0x1  }
0x2: {  	[smem:$0x3FA0] =	sst lr;
	_ =	strace $0xD0000000  }
0x3: {  	_ = 	snop  }
0x4: {  	_ = 	snop  }
0x5: {  	_ = 	snop  }
0x6: {  	_ = 	snop  }
0x7: {  	_ = 	snop  }
__scs_overlays_trampoline_lowered:
0x8: {  	[smem:$0x3FAF] =	sst s0  }
0x9: {  	[smem:$0x3FB0] =	sst s1  }
0xa: {  	[smem:$0x3FB1] =	sst s2  }
0xb: {  	[smem:$0x3FB2] =	sst s3  }
0xc: {  	[smem:$0x3FB3] =	sst s4  }
0xd: {  	[smem:$0x3FB4] =	sst s5  }
0xe: {  	[smem:$0x3FB5] =	sst s6  }
0xf: {  	[smem:$0x3FB6] =	sst s7  }
0x10: {  	[smem:$0x3FB7] =	sst s8  }
0x11: {  	[smem:$0x3FB8] =	sst s9;
	s0 =	simm.s32 @!p0 $0x0  }
0x12: {  	s1 =	sld [smem:$0x3F9E];
	s0 =	simm.s32 @p0 $0x1  }
0x13: {  	[smem:$0x3FB9] =	sst s0;
	s0 =	simm.s32 @!p1 $0x0  }
0x14: {  	s2 =	sld [smem:$0x3F9D];
	s0 =	simm.s32 @p1 $0x1  }
0x15: {  	[smem:$0x3FBA] =	sst s0;
	s0 =	simm.s32 @!p2 $0x0  }
0x16: {  	s3 =	sld [smem:$0x3FDB];
	s0 =	simm.s32 @p2 $0x1  }
0x17: {  	s4 =	simm.s32 $0x1BF5;
	[smem:$0x3FBC] =	sst s0  }
0x18: {  	s0 =	sld [smem:$0x3F9F];
	_ =	swait.ge [sflag:s4], $0x0  }
0x19: {  	s7 =	sld [smem:$0x3FA0]  }
0x1a: {  	s8 =	sadd.s32 $0xFFFFE003, lr  }
0x1b: {  	s9 =	sadd.s32 $0xFFFFFEF7, lr;
	s5 =	simm.s32 $0xFFFFFFFF;
	p2 =	slt.u32 s8, $0xFFFFF086  }
0x1c: {  	p1 =	slt.u32 s9, $0xF7A;
	s5 =	simm.s32 @!p2 $0x0  }
0x1d: {  	s5 =	simm.s32 @p1 $0x1;
	p0 =	seq.s32 s7, s2  }
0x1e: {  	s7 =	smul.u32 @!p0 $0xF7A, s2;
	p2 =	seq.s32 @!p0 s5, $0x0  }
0x1f: {  	s9 =	smul.u32 $0xF7A, s1;
	s8 =	simm.s32 @!p0 $0x1BF5;
	p2 =	por !p2, p0  }
0x20: {  	[sflag:s8] =	ssyncset.s32 @!p0 $0xFFFFF086;
	s6 =	sadd.s32 @!p0 s3, s7;
	s7 =	simm.s32 @!p0 $0x108  }
0x21: {  	s3 =	sadd.s32 s3, s9;
	s6 =	sadd.s32 @!p0 $0x88, s6;
	s7 =	simm.s32 @p2 $0x1082  }
0x22: {  	[simem:s7], [sflag:s8] =	dma.local @!p0 [hbm:s6], $0xF7A  }
0x23: {  	s9 =	sor.u32 $0xD0000000, s2;
	s6 =	simm.s32 $0x108;
	_ =	swait.ge @!p0 [sflag:s8], $0x0  }
0x24: {  	s3 =	sadd.s32 $0x88, s3;
	s6 =	simm.s32 @!p1 $0x1082;
	[sflag:s4] =	ssyncset.s32 $0xFFFFF086  }
0x25: {  	[simem:s6], [sflag:s4] =	dma.local [hbm:s3], $0xF7A  }
0x26: {  	[smem:$0x3FA0] =	sst s1;
	(tag) =	ssettag s2;
	_ =	strace s9  }
0x27: {  	s1 =	sld [smem:$0x3FB0]  }
0x28: {  	s2 =	sld [smem:$0x3FB1]  }
0x29: {  	s4 =	sld [smem:$0x3FB3]  }
0x2a: {  	p0 =	seq.s32 s5, $0x0;
	s5 =	sld [smem:$0x3FB4]  }
0x2b: {  	s6 =	sld [smem:$0x3FB5]  }
0x2c: {  	s7 =	sld [smem:$0x3FB6]  }
0x2d: {  	s3 =	simm.s32 $0x108;
	s8 =	sld [smem:$0x3FB7]  }
0x2e: {  	s3 =	simm.s32 @!p0 $0x1082;
	s9 =	sld [smem:$0x3FB8]  }
0x2f: {  	lr =	sadd.s32 s0, s3;
	s0 =	sld [smem:$0x3FAF]  }
0x30: {  	s3 =	sld [smem:$0x3FB2]  }
0x31: {  	[smem:$0x3FBB] =	sst s10  }
0x32: {  	s10 =	sld [smem:$0x3FB9];
	_ =	sdelay $0x3  }
0x33: {  	p0 =	seq.s32 s10, $0x1;
	s10 =	sld [smem:$0x3FBB];
	_ =	sdelay $0x3  }
0x34: {  	[smem:$0x3FBB] =	sst s10  }
0x35: {  	s10 =	sld [smem:$0x3FBA];
	_ =	sdelay $0x3  }
0x36: {  	p1 =	seq.s32 s10, $0x1;
	s10 =	sld [smem:$0x3FBB];
	_ =	sdelay $0x3  }
0x37: {  	[smem:$0x3FBB] =	sst s10  }
0x38: {  	s10 =	sld [smem:$0x3FBC]  }
0x39: {  	_ = 	snop;
	(pc) =	sbr.ind lr, $3  }
0x3a: {  	_ = 	snop  }
0x3b: {  	_ = 	snop  }
0x3c: {  	p2 =	seq.s32 s10, $0x1;
	s10 =	sld [smem:$0x3FBB]  }
0x3d: {  	_ =	shalt  }
0x3e: {  	_ =	shalt  }
0x3f: {  	_ =	shalt  }
0x40: {  	_ =	shalt  }
0x41: {  	_ =	shalt  }
0x42: {  	_ =	shalt  }
0x43: {  	_ =	shalt  }
0x44: {  	_ =	shalt  }
0x45: {  	_ =	shalt  }
0x46: {  	_ =	shalt  }
0x47: {  	_ =	shalt  }
0x48: {  	_ =	shalt  }
0x49: {  	_ =	shalt  }
0x4a: {  	_ =	shalt  }
0x4b: {  	_ =	shalt  }
0x4c: {  	_ =	shalt  }
0x4d: {  	_ =	shalt  }
0x4e: {  	_ =	shalt  }
0x4f: {  	_ =	shalt  }
0x50: {  	_ =	shalt  }
0x51: {  	_ =	shalt  }
0x52: {  	_ =	shalt  }
0x53: {  	_ =	shalt  }
0x54: {  	_ =	shalt  }
0x55: {  	_ =	shalt  }
0x56: {  	_ =	shalt  }
0x57: {  	_ =	shalt  }
0x58: {  	_ =	shalt  }
0x59: {  	_ =	shalt  }
0x5a: {  	_ =	shalt  }
0x5b: {  	_ =	shalt  }
0x5c: {  	_ =	shalt  }
0x5d: {  	_ =	shalt  }
0x5e: {  	_ =	shalt  }
0x5f: {  	_ =	shalt  }
0x60: {  	_ =	shalt  }
0x61: {  	_ =	shalt  }
0x62: {  	_ =	shalt  }
0x63: {  	_ =	shalt  }
0x64: {  	_ =	shalt  }
0x65: {  	_ =	shalt  }
0x66: {  	_ =	shalt  }
0x67: {  	_ =	shalt  }
0x68: {  	_ =	shalt  }
0x69: {  	_ =	shalt  }
0x6a: {  	_ =	shalt  }
0x6b: {  	_ =	shalt  }
0x6c: {  	_ =	shalt  }
0x6d: {  	_ =	shalt  }
0x6e: {  	_ =	shalt  }
0x6f: {  	_ =	shalt  }
0x70: {  	_ =	shalt  }
0x71: {  	_ =	shalt  }
0x72: {  	_ =	shalt  }
0x73: {  	_ =	shalt  }
0x74: {  	_ =	shalt  }
0x75: {  	_ =	shalt  }
0x76: {  	_ =	shalt  }
0x77: {  	_ =	shalt  }
0x78: {  	_ =	shalt  }
0x79: {  	_ =	shalt  }
0x7a: {  	_ =	shalt  }
0x7b: {  	_ =	shalt  }
0x7c: {  	_ =	shalt  }
0x7d: {  	_ =	shalt  }
0x7e: {  	_ =	shalt  }
0x7f: {  	_ =	shalt  }
0x80: {  	_ =	shalt  }
0x81: {  	_ =	shalt  }
0x82: {  	_ =	shalt  }
0x83: {  	_ =	shalt  }
0x84: {  	_ =	shalt  }
0x85: {  	_ =	shalt  }
0x86: {  	_ =	shalt  }
0x87: {  	_ =	shalt  }
.Lfunc_end0:
.L_simem_size_0:
called_computation_lowered:
.L_overlay_start_0:
0x88: {  	s2 =	sld [smem:$0x3FD9]  }
0x89: {  	s3 =	sld [smem:$0x3FFE];
	_ =	sdelay $0x1  }
0x8a: {  	s1 =	srdreg.scid  }
0x8b: {  	s0 =	sand.u32 $0x1, s1  }
0x8c: {  	s17 =	sshll.u32 s0, $0xA;
	s2 =	sadd.s32 s3, s2  }
0x8d: {  	s2 =	sadd.s32 s2, s17  }
0x8e: {  	[smem:$0x3FC7] =	sst s2  }
0x8f: {  	_ = 	snop  }
0x90: {  	s2 =	sld [smem:$0x3FC9];
	(tm) =	ssettm $0x1  }
0x91: {  	s18 =	sld [smem:$0x3FFB];
	_ =	sdelay $0x3  }
0x92: {  	_ =	strace s18  }
0x93: {  	s3 =	sld [smem:$0x3FFC];
	_ =	sdelay $0x3  }
0x94: {  	_ =	strace s3  }
0x95: {  	s3 =	sld [smem:$0x3FFD];
	_ =	sdelay $0x3  }
0x96: {  	_ =	strace s3  }
0x97: {  	_ =	strace $0x8FFFFFFF  }
0x98: {  	s19 =	sld [smem:$0x3FDB];
	_ =	sdelay $0x1  }
0x99: {  	s4 =	simm.s32 $_scs_section_size  }
0x9a: {  	s5 =	simm.s32 $_size__tile_overlayer_lowered;
	s6 =	simm.s32 $_tile_overlayer_lowered  }
0x9b: {  	s22 =	simm.s32 $0x1BFF;
	s21 =	sshll.u32 s6, $0x1;
	s3 =	sadd.s32 s4, s19  }
0x9c: {  	s7 =	simm.s32 $0x0;
	s20 =	sshll.u32 s5, $0x1;
	s5 =	sadd.s32 s21, s3  }
0x9d: {  	[timem:s7], [sflag:s22] =	dma.local [hbm:s5], s20  }
0x9e: {  	_ =	swait.ge [sflag:s22], s20  }
0x9f: {  	s4 =	ssub.s32 $0x0, s20;
	[sflag:s22] =	ssyncset.done $0x0  }
0xa0: {  	[sflag:s22] =	ssyncadd.s32 s4;
	_ =	sdelay $0x1  }
0xa1: {  	s23 =	simm.s32 $0x1B8B  }
0xa2: {  	_ =	swait.ge [sflag:s23], $0x1  }
0xa3: {  	[sflag:s23] =	ssyncset.done $0x0  }
0xa4: {  	s25 =	simm.s32 $0x1B8E;
	s24 =	sld [smem:$0x3FFE];
	[sflag:s23] =	ssyncadd.s32 $0xFFFFFFFF  }
0xa5: {  	s26 =	simm.s32 $execute0_lowered;
	[smem:$0x3FD2] =	sst s25  }
0xa6: {  	s5 =	sshll.u32 s26, $0x1;
	_ =	strace $0x80000046;
	[dreg:$0x1] =	wrdreg $0xFFFFFFFF  }
0xa7: {  	s28 =	simm.s32 $_size_execute0_lowered;
	s3 =	sadd.s32 s3, s5;
	[dreg:$0x0] =	wrdreg $0x0  }
0xa8: {  	s5 =	sshll.u32 s28, $0x1;
	[dreg:$0x2] =	wrdreg s3  }
0xa9: {  	[dreg:$0x3] =	wrdreg s5  }
0xaa: {  	[dreg:$0x4] =	wrdreg $0xC0  }
0xab: {  	_ =	task [dreg:s7], $0x5FFFF  }
0xac: {  	[dreg:$0x1] =	wrdreg $0xFFFFFFFF  }
0xad: {  	[dreg:$0x0] =	wrdreg $0x60  }
0xae: {  	[dreg:$0x2] =	wrdreg s2  }
0xaf: {  	[dreg:$0x3] =	wrdreg s24  }
0xb0: {  	[dreg:$0x4] =	wrdreg $0x9  }
0xb1: {  	_ =	task.clear_ibuf [dreg:s7], $0x5FFFF;
	_ =	strace $0x90000046  }
0xb2: {  	s29 =	simm.s32 $0x9;
	_ =	strace $0x80000048  }
0xb3: {  	_ =	swait.ge [sflag:s29], $0x1  }
0xb4: {  	[sflag:s29] =	ssyncadd.s32 $0xFFFFFFFF  }
0xb5: {  	_ =	strace $0x90000048  }
0xb6: {  	_ =	sfence  }
0xb7: {  	s30 =	sld [smem:$0x0];
	_ =	sdelay $0x2  }
0xb8: {  	s31 =	sshll.u32 s1, $0xD;
	s1 =	sshrl.u32 s1, $0x2  }
0xb9: {  	s3 =	sand.u32 $0x4000, s31;
	s1 =	sadd.s32 s1, s30  }
0xba: {  	s0 =	sor.u32 s3, s0;
	s1 =	sshll.u32 s1, $0x11  }
0xbb: {  	s0 =	sor.u32 s1, s0  }
0xbc: {  	s0 =	sadd.s32 $0x8F2B, s0  }
0xbd: {  	[sflag:s0] =	ssyncadd.remote.s32 $0x1  }
0xbe: {  	_ =	sfence.sel $0xFFFF  }
0xbf: {  	[dreg:$0x0] =	wrdreg $0xFFFFFFFF;
	(pc) =	sbr.abs _section_cstart, $3  }
0xc0: {  	[dreg:$0x1] =	wrdreg $0xFFFFFFFF  }
0xc1: {  	_ =	task.clear_ibuf [dreg:s7], $0x2FFFF;
	_ =	strace $0x9FFFFFFF  }
0xc2: {  	(tm) =	ssettm $0x7FFFFFFF  }
0xc3: {  	_ =	shalt  }
tec
execute0_lowered:
.L_overlay_start_1:
0x0: {  	(tag) =	ssettag $0x1  }
0x1: {  	s2 =	rddreg [dreg:$0x0]  }
0x2: {  	s4 =	rddreg [dreg:$0x1]  }
0x3: {  	s0 =	rddreg [dreg:$0x2]  }
0x4: {  	s5 =	srdreg.scid;
	s1 =	stileid.u32;
	s3 =	simm.s32 $0x0  }
0x5: {  	s8 =	simm.s32 $0x400;
	s9 =	simm.s32 $0xC3800;
	s10 =	simm.s32 $0x9400  }
0x6: {  	s11 =	simm.s32 $0x1;
	s13 =	simm.s32 $0x12C00;
	s14 =	simm.s32 $0x13000  }
0x7: {  	s15 =	simm.s32 $0x0;
	s5 =	sand.u32 $0x1, s5;
	s6 =	sshll.u32 s1, $0x1  }
.Ltmp0:
0x8: {  	[smem:$0x7FF] =	sst s3;
	s12 =	sor.u32 s5, s6;
	(pc) =	sbr.rel .LBB2_1-.Ltmp0, $4  }
0x9: {  	s5 =	ssub.s32 $0x2, s5;
	_ =	strace $0x80000047;
	s6 =	sshll.u32 s12, $0x4  }
0xa: {  	s7 =	sshrl.u32 s5, $0x1;
	p0 =	sne.s32 s12, $0x1F;
	s6 =	sadd.s32 s6, s4  }
0xb: {  	s7 =	ssub.s32 s5, s7;
	s4 =	sor.u32 $0x280, s12;
	s5 =	sadd.s32 $0x18680, s2  }
0xc: {  	s12 =	simm.s32 $0x9800;
	s6 =	sadd.s32 $0x200, s6;
	s7 =	smax.u32 s7, $0x1  }
.LBB2_27:
0xd: {  	v0 =	vmul.f32 $2.222222250e-05, v0;
	s15 =	sadd.s32 $0x1, s15  }
0xe: {  	p1 =	sne.s32 s15, s7  }
.Ltmp1:
0xf: {  	[tilespmem:$0x13000] =	vst v0;
	(pc) =	sbr.rel @!p1 .LBB2_28-.Ltmp1, $4  }
0x10: {  	[hbm4b:s6+s3] =	stream.linear.scatter [tilespmem:s14], [sflag:$0x1], $0x80, $0x38;
	[tilespmem:$0x13080] =	vst v63  }
0x11: {  	_ =	swait.ge [sflag:s11], $0x80  }
0x12: {  	[sflag:s11] =	ssyncset.done $0x0  }
0x13: {  	[sflag:s11] =	ssyncadd.s32 $0xFFFFFF80  }
.LBB2_1:
.Ltmp2:
0x14: {  	(pc) =	sbr.rel .LBB2_2-.Ltmp2, $3  }
0x15: {  	_ =	sdelay $0x1  }
0x16: {  	v0 =	vimm.f32 $0.0e+00  }
0x17: {  	s16 =	simm.s32 $0x0;
	[tilespmem:$0x13000] =	vst v0  }
.LBB2_20:
0x18: {  	s16 =	sadd.s32 $0x1, s16  }
0x19: {  	p1 =	sne.s32 s16, $0x5  }
.Ltmp3:
0x1a: {  	_ = 	snop;
	(pc) =	sbr.rel @!p1 .LBB2_21-.Ltmp3, $1  }
0x1b: {  	_ =	sdelay $0x3  }
.LBB2_2:
0x1c: {  	s17 =	sshll.u32 s16, $0x5  }
0x1d: {  	s17 =	sadd.s32 s4, s17  }
0x1e: {  	p1 =	sgt.u32 s17, $0x30C  }
.Ltmp4:
0x1f: {  	_ = 	snop;
	(pc) =	sbr.rel @p1 .LBB2_20-.Ltmp4, $1  }
0x20: {  	_ =	sdelay $0x3  }
0x21: {  	s17 =	sshll.u32 s17, $0x7  }
0x22: {  	s18 =	simm.s32 $0x0;
	s17 =	sadd.s32 s2, s17  }
0x23: {  	[tilespmem:s18], [sflag:$0x1] =	stream.strided.gather [hbm4b:s17+s8], $0x9400, s9, s8, $0x38;
	[tilespmem:$0x13080] =	vst v63  }
0x24: {  	s17 =	sadd.s32 $0x388300, s17  }
0x25: {  	[tilespmem:s10], [sflag:$0x1] =	stream.linear.gather [hbm4b:s17+s18], $0x200, $0x38;
	[tilespmem:$0x13080] =	vst v63  }
0x26: {  	_ =	swait.ge [sflag:s11], $0x9600  }
0x27: {  	[sflag:s11] =	ssyncset.done $0x0  }
0x28: {  	s30 =	simm.s32 $0x0;
	[sflag:s11] =	ssyncadd.s32 $0xFFFF6A00  }
0x29: {  	v0 =	vld [tilespmem:s30+$0x0]  }
0x2a: {  	v2 =	vld [tilespmem:s30+$0x6400]  }
0x2b: {  	v3 =	vld [tilespmem:s30+$0x3200];
	_ =	sdelay $0x2  }
0x2c: {  	s31 =	simm.s32 $0x80  }
0x2d: {  	v1 =	vld [tilespmem:s31+$0x0];
	v4 =	vsub.f32 v2, v0  }
0x2e: {  	v0 =	vsub.f32 v0, v3;
	v7 =	vsub.f32 v3, v2;
	v2 =	vld [tilespmem:s31+$0x6400]  }
0x2f: {  	v5 =	vld [tilespmem:s31+$0x3200];
	v4 =	vmul.f32 v4, v4  }
0x30: {  	v3 =	vimm.f32 $0.0e+00;
	v6 =	vmul.f32 v0, v0;
	v7 =	vmul.f32 v7, v7  }
0x31: {  	s17 =	simm.s32 $0x400;
	v0 =	vadd.f32 v4, v3;
	v4 =	vimm.f32 $0.0e+00  }
.LBB2_4:
0x32: {  	s18 =	sshra.s32 s17, $0x2;
	v3 =	vadd.f32 v6, v3;
	v4 =	vadd.f32 v7, v4;
	v6 =	vmov v1;
	p1 =	sne.s32 s17, $0xC600  }
.Ltmp5:
0x33: {  	s17 =	sadd.s32 $0x200, s17;
	v1 =	vld [tilespmem:s18+$0x0];
	v7 =	vsub.f32 v2, v6;
	(pc) =	sbr.rel @p1 .LBB2_4-.Ltmp5, $4  }
0x34: {  	v6 =	vsub.f32 v6, v5;
	v8 =	vsub.f32 v5, v2;
	v2 =	vld [tilespmem:s18+$0x6400]  }
0x35: {  	v5 =	vld [tilespmem:s18+$0x3200];
	v9 =	vmul.f32 v7, v7  }
0x36: {  	v6 =	vmul.f32 v6, v6;
	v7 =	vmul.f32 v8, v8  }
0x37: {  	v0 =	vadd.f32 v9, v0  }
0x38: {  	_ =	sdelay $0x1  }
0x39: {  	v8 =	vsub.f32 v1, v5  }
0x3a: {  	v5 =	vsub.f32 v5, v2  }
0x3b: {  	v3 =	vadd.f32 v6, v3;
	v6 =	vmul.f32 v8, v8  }
0x3c: {  	v4 =	vadd.f32 v7, v4;
	v1 =	vsub.f32 v2, v1;
	v2 =	vmul.f32 v5, v5  }
0x3d: {  	v3 =	vadd.f32 v6, v3  }
0x3e: {  	v1 =	vmul.f32 v1, v1;
	v2 =	vadd.f32 v2, v4  }
0x3f: {  	v4 =	vld [tilespmem:$0x13000];
	v5 =	vsub.f32 $5.000000070e-02, v3;
	v3 =	vadd.f32 $-2.500000000e-01, v3  }
0x40: {  	v0 =	vadd.f32 v1, v0;
	v1 =	vsub.f32 $5.000000070e-02, v2  }
0x41: {  	v2 =	vadd.f32 $-2.500000000e-01, v2;
	v5 =	vmax.f32 v5, $0.0e+00;
	v3 =	vmax.f32 v3, $0.0e+00  }
0x42: {  	v1 =	vmax.f32 v1, $0.0e+00;
	v3 =	vadd.f32 v3, v5  }
0x43: {  	v2 =	vmax.f32 v2, $0.0e+00;
	v5 =	vsub.f32 $5.000000070e-02, v0;
	v0 =	vadd.f32 $-2.500000000e-01, v0  }
0x44: {  	v1 =	vadd.f32 v2, v1;
	v3 =	vadd.f32 v4, v3  }
0x45: {  	v2 =	vmax.f32 v5, $0.0e+00;
	v0 =	vmax.f32 v0, $0.0e+00  }
0x46: {  	v0 =	vadd.f32 v0, v2;
	v1 =	vadd.f32 v3, v1;
	_ =	sdelay $0x1  }
0x47: {  	v0 =	vadd.f32 v1, v0;
	_ =	sdelay $0x1  }
0x48: {  	s17 =	simm.s32 $0x0;
	[tilespmem:$0x13000] =	vst v0  }
0x49: {  	v1 =	vld [tilespmem:s17+$0x10]  }
0x4a: {  	v2 =	vld [tilespmem:s17+$0x6410]  }
0x4b: {  	v3 =	vld [tilespmem:s17+$0x3210];
	_ =	sdelay $0x3  }
0x4c: {  	s18 =	simm.s32 $0x80  }
0x4d: {  	v4 =	vsub.f32 v2, v1;
	v5 =	vsub.f32 v1, v3;
	v1 =	vld [tilespmem:s18+$0x10]  }
0x4e: {  	v2 =	vsub.f32 v3, v2;
	v3 =	vld [tilespmem:s18+$0x6410]  }
0x4f: {  	v6 =	vld [tilespmem:s18+$0x3210];
	v9 =	vmul.f32 v4, v4  }
0x50: {  	v4 =	vimm.f32 $0.0e+00;
	v7 =	vmul.f32 v5, v5;
	v8 =	vmul.f32 v2, v2  }
0x51: {  	s17 =	simm.s32 $0x400;
	v5 =	vimm.f32 $0.0e+00;
	v2 =	vadd.f32 v9, v4  }
.LBB2_6:
0x52: {  	s18 =	sshra.s32 s17, $0x2;
	v4 =	vadd.f32 v7, v4;
	v5 =	vadd.f32 v8, v5;
	v7 =	vmov v1;
	p1 =	sne.s32 s17, $0xC600  }
.Ltmp6:
0x53: {  	s17 =	sadd.s32 $0x200, s17;
	v1 =	vld [tilespmem:s18+$0x10];
	v8 =	vsub.f32 v3, v7;
	(pc) =	sbr.rel @p1 .LBB2_6-.Ltmp6, $4  }
0x54: {  	v7 =	vsub.f32 v7, v6;
	v9 =	vsub.f32 v6, v3;
	v3 =	vld [tilespmem:s18+$0x6410]  }
0x55: {  	v6 =	vld [tilespmem:s18+$0x3210];
	v10 =	vmul.f32 v8, v8  }
0x56: {  	v7 =	vmul.f32 v7, v7;
	v8 =	vmul.f32 v9, v9  }
0x57: {  	v2 =	vadd.f32 v10, v2  }
0x58: {  	_ =	sdelay $0x1  }
0x59: {  	v9 =	vsub.f32 v1, v6  }
0x5a: {  	v6 =	vsub.f32 v6, v3  }
0x5b: {  	v4 =	vadd.f32 v7, v4;
	v7 =	vmul.f32 v9, v9  }
0x5c: {  	v5 =	vadd.f32 v8, v5;
	v1 =	vsub.f32 v3, v1;
	v3 =	vmul.f32 v6, v6  }
0x5d: {  	v4 =	vadd.f32 v7, v4  }
0x5e: {  	v1 =	vmul.f32 v1, v1;
	v3 =	vadd.f32 v3, v5  }
0x5f: {  	v5 =	vsub.f32 $5.000000070e-02, v4;
	v4 =	vadd.f32 $-2.500000000e-01, v4  }
0x60: {  	v1 =	vadd.f32 v1, v2;
	v2 =	vsub.f32 $5.000000070e-02, v3  }
0x61: {  	v3 =	vadd.f32 $-2.500000000e-01, v3;
	v5 =	vmax.f32 v5, $0.0e+00;
	v4 =	vmax.f32 v4, $0.0e+00  }
0x62: {  	v2 =	vmax.f32 v2, $0.0e+00;
	v4 =	vadd.f32 v4, v5  }
0x63: {  	v3 =	vmax.f32 v3, $0.0e+00;
	v5 =	vsub.f32 $5.000000070e-02, v1;
	v1 =	vadd.f32 $-2.500000000e-01, v1  }
0x64: {  	v2 =	vadd.f32 v3, v2;
	v0 =	vadd.f32 v4, v0  }
0x65: {  	v3 =	vmax.f32 v5, $0.0e+00;
	v1 =	vmax.f32 v1, $0.0e+00  }
0x66: {  	v1 =	vadd.f32 v1, v3;
	v0 =	vadd.f32 v2, v0;
	_ =	sdelay $0x1  }
0x67: {  	v0 =	vadd.f32 v1, v0;
	_ =	sdelay $0x1  }
0x68: {  	s17 =	simm.s32 $0x0;
	[tilespmem:$0x13000] =	vst v0  }
0x69: {  	v1 =	vld [tilespmem:s17+$0x20]  }
0x6a: {  	v2 =	vld [tilespmem:s17+$0x6420]  }
0x6b: {  	v3 =	vld [tilespmem:s17+$0x3220];
	_ =	sdelay $0x3  }
0x6c: {  	s18 =	simm.s32 $0x80  }
0x6d: {  	v4 =	vsub.f32 v2, v1;
	v5 =	vsub.f32 v1, v3;
	v1 =	vld [tilespmem:s18+$0x20]  }
0x6e: {  	v2 =	vsub.f32 v3, v2;
	v3 =	vld [tilespmem:s18+$0x6420]  }
0x6f: {  	v6 =	vld [tilespmem:s18+$0x3220];
	v9 =	vmul.f32 v4, v4  }
0x70: {  	v4 =	vimm.f32 $0.0e+00;
	v7 =	vmul.f32 v5, v5;
	v8 =	vmul.f32 v2, v2  }
0x71: {  	s17 =	simm.s32 $0x400;
	v5 =	vimm.f32 $0.0e+00;
	v2 =	vadd.f32 v9, v4  }
.LBB2_8:
0x72: {  	s18 =	sshra.s32 s17, $0x2;
	v4 =	vadd.f32 v7, v4;
	v5 =	vadd.f32 v8, v5;
	v7 =	vmov v1;
	p1 =	sne.s32 s17, $0xC600  }
.Ltmp7:
0x73: {  	s17 =	sadd.s32 $0x200, s17;
	v1 =	vld [tilespmem:s18+$0x20];
	v8 =	vsub.f32 v3, v7;
	(pc) =	sbr.rel @p1 .LBB2_8-.Ltmp7, $4  }
0x74: {  	v7 =	vsub.f32 v7, v6;
	v9 =	vsub.f32 v6, v3;
	v3 =	vld [tilespmem:s18+$0x6420]  }
0x75: {  	v6 =	vld [tilespmem:s18+$0x3220];
	v10 =	vmul.f32 v8, v8  }
0x76: {  	v7 =	vmul.f32 v7, v7;
	v8 =	vmul.f32 v9, v9  }
0x77: {  	v2 =	vadd.f32 v10, v2  }
0x78: {  	_ =	sdelay $0x1  }
0x79: {  	v9 =	vsub.f32 v1, v6  }
0x7a: {  	v6 =	vsub.f32 v6, v3  }
0x7b: {  	v4 =	vadd.f32 v7, v4;
	v7 =	vmul.f32 v9, v9  }
0x7c: {  	v5 =	vadd.f32 v8, v5;
	v1 =	vsub.f32 v3, v1;
	v3 =	vmul.f32 v6, v6  }
0x7d: {  	v4 =	vadd.f32 v7, v4  }
0x7e: {  	v1 =	vmul.f32 v1, v1;
	v3 =	vadd.f32 v3, v5  }
0x7f: {  	v5 =	vsub.f32 $5.000000070e-02, v4;
	v4 =	vadd.f32 $-2.500000000e-01, v4  }
0x80: {  	v1 =	vadd.f32 v1, v2;
	v2 =	vsub.f32 $5.000000070e-02, v3  }
0x81: {  	v3 =	vadd.f32 $-2.500000000e-01, v3;
	v5 =	vmax.f32 v5, $0.0e+00;
	v4 =	vmax.f32 v4, $0.0e+00  }
0x82: {  	v2 =	vmax.f32 v2, $0.0e+00;
	v4 =	vadd.f32 v4, v5  }
0x83: {  	v3 =	vmax.f32 v3, $0.0e+00;
	v5 =	vsub.f32 $5.000000070e-02, v1;
	v1 =	vadd.f32 $-2.500000000e-01, v1  }
0x84: {  	v2 =	vadd.f32 v3, v2;
	v0 =	vadd.f32 v4, v0  }
0x85: {  	v3 =	vmax.f32 v5, $0.0e+00;
	v1 =	vmax.f32 v1, $0.0e+00  }
0x86: {  	v1 =	vadd.f32 v1, v3;
	v0 =	vadd.f32 v2, v0;
	_ =	sdelay $0x1  }
0x87: {  	v0 =	vadd.f32 v1, v0;
	_ =	sdelay $0x1  }
0x88: {  	s17 =	simm.s32 $0x0;
	[tilespmem:$0x13000] =	vst v0  }
0x89: {  	v1 =	vld [tilespmem:s17+$0x30]  }
0x8a: {  	v2 =	vld [tilespmem:s17+$0x6430]  }
0x8b: {  	v3 =	vld [tilespmem:s17+$0x3230];
	_ =	sdelay $0x3  }
0x8c: {  	s18 =	simm.s32 $0x80  }
0x8d: {  	v4 =	vsub.f32 v2, v1;
	v5 =	vsub.f32 v1, v3;
	v1 =	vld [tilespmem:s18+$0x30]  }
0x8e: {  	v2 =	vsub.f32 v3, v2;
	v3 =	vld [tilespmem:s18+$0x6430]  }
0x8f: {  	v6 =	vld [tilespmem:s18+$0x3230];
	v9 =	vmul.f32 v4, v4  }
0x90: {  	v4 =	vimm.f32 $0.0e+00;
	v7 =	vmul.f32 v5, v5;
	v8 =	vmul.f32 v2, v2  }
0x91: {  	s17 =	simm.s32 $0x400;
	v5 =	vimm.f32 $0.0e+00;
	v2 =	vadd.f32 v9, v4  }
.LBB2_10:
0x92: {  	s18 =	sshra.s32 s17, $0x2;
	v4 =	vadd.f32 v7, v4;
	v5 =	vadd.f32 v8, v5;
	v7 =	vmov v1;
	p1 =	sne.s32 s17, $0xC600  }
.Ltmp8:
0x93: {  	s17 =	sadd.s32 $0x200, s17;
	v1 =	vld [tilespmem:s18+$0x30];
	v8 =	vsub.f32 v3, v7;
	(pc) =	sbr.rel @p1 .LBB2_10-.Ltmp8, $4  }
0x94: {  	v7 =	vsub.f32 v7, v6;
	v9 =	vsub.f32 v6, v3;
	v3 =	vld [tilespmem:s18+$0x6430]  }
0x95: {  	v6 =	vld [tilespmem:s18+$0x3230];
	v10 =	vmul.f32 v8, v8  }
0x96: {  	v7 =	vmul.f32 v7, v7;
	v8 =	vmul.f32 v9, v9  }
0x97: {  	v2 =	vadd.f32 v10, v2  }
0x98: {  	_ =	sdelay $0x1  }
0x99: {  	v9 =	vsub.f32 v1, v6  }
0x9a: {  	v6 =	vsub.f32 v6, v3  }
0x9b: {  	v4 =	vadd.f32 v7, v4;
	v7 =	vmul.f32 v9, v9  }
0x9c: {  	v5 =	vadd.f32 v8, v5;
	v1 =	vsub.f32 v3, v1;
	v3 =	vmul.f32 v6, v6  }
0x9d: {  	v4 =	vadd.f32 v7, v4  }
0x9e: {  	v1 =	vmul.f32 v1, v1;
	v3 =	vadd.f32 v3, v5  }
0x9f: {  	v5 =	vsub.f32 $5.000000070e-02, v4;
	v4 =	vadd.f32 $-2.500000000e-01, v4  }
0xa0: {  	v1 =	vadd.f32 v1, v2;
	v2 =	vsub.f32 $5.000000070e-02, v3  }
0xa1: {  	v3 =	vadd.f32 $-2.500000000e-01, v3;
	v5 =	vmax.f32 v5, $0.0e+00;
	v4 =	vmax.f32 v4, $0.0e+00  }
0xa2: {  	v2 =	vmax.f32 v2, $0.0e+00;
	v4 =	vadd.f32 v4, v5  }
0xa3: {  	v3 =	vmax.f32 v3, $0.0e+00;
	v5 =	vsub.f32 $5.000000070e-02, v1;
	v1 =	vadd.f32 $-2.500000000e-01, v1  }
0xa4: {  	v2 =	vadd.f32 v3, v2;
	v0 =	vadd.f32 v4, v0  }
0xa5: {  	v3 =	vmax.f32 v5, $0.0e+00;
	v1 =	vmax.f32 v1, $0.0e+00  }
0xa6: {  	v1 =	vadd.f32 v1, v3;
	v0 =	vadd.f32 v2, v0;
	_ =	sdelay $0x1  }
0xa7: {  	v0 =	vadd.f32 v1, v0;
	_ =	sdelay $0x1  }
0xa8: {  	s17 =	simm.s32 $0x0;
	[tilespmem:$0x13000] =	vst v0  }
0xa9: {  	v1 =	vld [tilespmem:s17+$0x40]  }
0xaa: {  	v2 =	vld [tilespmem:s17+$0x6440]  }
0xab: {  	v3 =	vld [tilespmem:s17+$0x3240];
	_ =	sdelay $0x3  }
0xac: {  	s18 =	simm.s32 $0x80  }
0xad: {  	v4 =	vsub.f32 v2, v1;
	v5 =	vsub.f32 v1, v3;
	v1 =	vld [tilespmem:s18+$0x40]  }
0xae: {  	v2 =	vsub.f32 v3, v2;
	v3 =	vld [tilespmem:s18+$0x6440]  }
0xaf: {  	v6 =	vld [tilespmem:s18+$0x3240];
	v9 =	vmul.f32 v4, v4  }
0xb0: {  	v4 =	vimm.f32 $0.0e+00;
	v7 =	vmul.f32 v5, v5;
	v8 =	vmul.f32 v2, v2  }
0xb1: {  	s17 =	simm.s32 $0x400;
	v5 =	vimm.f32 $0.0e+00;
	v2 =	vadd.f32 v9, v4  }
.LBB2_12:
0xb2: {  	s18 =	sshra.s32 s17, $0x2;
	v4 =	vadd.f32 v7, v4;
	v5 =	vadd.f32 v8, v5;
	v7 =	vmov v1;
	p1 =	sne.s32 s17, $0xC600  }
.Ltmp9:
0xb3: {  	s17 =	sadd.s32 $0x200, s17;
	v1 =	vld [tilespmem:s18+$0x40];
	v8 =	vsub.f32 v3, v7;
	(pc) =	sbr.rel @p1 .LBB2_12-.Ltmp9, $4  }
0xb4: {  	v7 =	vsub.f32 v7, v6;
	v9 =	vsub.f32 v6, v3;
	v3 =	vld [tilespmem:s18+$0x6440]  }
0xb5: {  	v6 =	vld [tilespmem:s18+$0x3240];
	v10 =	vmul.f32 v8, v8  }
0xb6: {  	v7 =	vmul.f32 v7, v7;
	v8 =	vmul.f32 v9, v9  }
0xb7: {  	v2 =	vadd.f32 v10, v2  }
0xb8: {  	_ =	sdelay $0x1  }
0xb9: {  	v9 =	vsub.f32 v1, v6  }
0xba: {  	v6 =	vsub.f32 v6, v3  }
0xbb: {  	v4 =	vadd.f32 v7, v4;
	v7 =	vmul.f32 v9, v9  }
0xbc: {  	v5 =	vadd.f32 v8, v5;
	v1 =	vsub.f32 v3, v1;
	v3 =	vmul.f32 v6, v6  }
0xbd: {  	v4 =	vadd.f32 v7, v4  }
0xbe: {  	v1 =	vmul.f32 v1, v1;
	v3 =	vadd.f32 v3, v5  }
0xbf: {  	v5 =	vsub.f32 $5.000000070e-02, v4;
	v4 =	vadd.f32 $-2.500000000e-01, v4  }
0xc0: {  	v1 =	vadd.f32 v1, v2;
	v2 =	vsub.f32 $5.000000070e-02, v3  }
0xc1: {  	v3 =	vadd.f32 $-2.500000000e-01, v3;
	v5 =	vmax.f32 v5, $0.0e+00;
	v4 =	vmax.f32 v4, $0.0e+00  }
0xc2: {  	v2 =	vmax.f32 v2, $0.0e+00;
	v4 =	vadd.f32 v4, v5  }
0xc3: {  	v3 =	vmax.f32 v3, $0.0e+00;
	v5 =	vsub.f32 $5.000000070e-02, v1;
	v1 =	vadd.f32 $-2.500000000e-01, v1  }
0xc4: {  	v2 =	vadd.f32 v3, v2;
	v0 =	vadd.f32 v4, v0  }
0xc5: {  	v3 =	vmax.f32 v5, $0.0e+00;
	v1 =	vmax.f32 v1, $0.0e+00  }
0xc6: {  	v1 =	vadd.f32 v1, v3;
	v0 =	vadd.f32 v2, v0;
	_ =	sdelay $0x1  }
0xc7: {  	v0 =	vadd.f32 v1, v0;
	_ =	sdelay $0x1  }
0xc8: {  	s17 =	simm.s32 $0x0;
	[tilespmem:$0x13000] =	vst v0  }
0xc9: {  	v1 =	vld [tilespmem:s17+$0x50]  }
0xca: {  	v2 =	vld [tilespmem:s17+$0x6450]  }
0xcb: {  	v3 =	vld [tilespmem:s17+$0x3250];
	_ =	sdelay $0x3  }
0xcc: {  	s18 =	simm.s32 $0x80  }
0xcd: {  	v4 =	vsub.f32 v2, v1;
	v5 =	vsub.f32 v1, v3;
	v1 =	vld [tilespmem:s18+$0x50]  }
0xce: {  	v2 =	vsub.f32 v3, v2;
	v3 =	vld [tilespmem:s18+$0x6450]  }
0xcf: {  	v6 =	vld [tilespmem:s18+$0x3250];
	v9 =	vmul.f32 v4, v4  }
0xd0: {  	v4 =	vimm.f32 $0.0e+00;
	v7 =	vmul.f32 v5, v5;
	v8 =	vmul.f32 v2, v2  }
0xd1: {  	s17 =	simm.s32 $0x400;
	v5 =	vimm.f32 $0.0e+00;
	v2 =	vadd.f32 v9, v4  }
.LBB2_14:
0xd2: {  	s18 =	sshra.s32 s17, $0x2;
	v4 =	vadd.f32 v7, v4;
	v5 =	vadd.f32 v8, v5;
	v7 =	vmov v1;
	p1 =	sne.s32 s17, $0xC600  }
.Ltmp10:
0xd3: {  	s17 =	sadd.s32 $0x200, s17;
	v1 =	vld [tilespmem:s18+$0x50];
	v8 =	vsub.f32 v3, v7;
	(pc) =	sbr.rel @p1 .LBB2_14-.Ltmp10, $4  }
0xd4: {  	v7 =	vsub.f32 v7, v6;
	v9 =	vsub.f32 v6, v3;
	v3 =	vld [tilespmem:s18+$0x6450]  }
0xd5: {  	v6 =	vld [tilespmem:s18+$0x3250];
	v10 =	vmul.f32 v8, v8  }
0xd6: {  	v7 =	vmul.f32 v7, v7;
	v8 =	vmul.f32 v9, v9  }
0xd7: {  	v2 =	vadd.f32 v10, v2  }
0xd8: {  	_ =	sdelay $0x1  }
0xd9: {  	v9 =	vsub.f32 v1, v6  }
0xda: {  	v6 =	vsub.f32 v6, v3  }
0xdb: {  	v4 =	vadd.f32 v7, v4;
	v7 =	vmul.f32 v9, v9  }
0xdc: {  	v5 =	vadd.f32 v8, v5;
	v1 =	vsub.f32 v3, v1;
	v3 =	vmul.f32 v6, v6  }
0xdd: {  	v4 =	vadd.f32 v7, v4  }
0xde: {  	v1 =	vmul.f32 v1, v1;
	v3 =	vadd.f32 v3, v5  }
0xdf: {  	v5 =	vsub.f32 $5.000000070e-02, v4;
	v4 =	vadd.f32 $-2.500000000e-01, v4  }
0xe0: {  	v1 =	vadd.f32 v1, v2;
	v2 =	vsub.f32 $5.000000070e-02, v3  }
0xe1: {  	v3 =	vadd.f32 $-2.500000000e-01, v3;
	v5 =	vmax.f32 v5, $0.0e+00;
	v4 =	vmax.f32 v4, $0.0e+00  }
0xe2: {  	v2 =	vmax.f32 v2, $0.0e+00;
	v4 =	vadd.f32 v4, v5  }
0xe3: {  	v3 =	vmax.f32 v3, $0.0e+00;
	v5 =	vsub.f32 $5.000000070e-02, v1;
	v1 =	vadd.f32 $-2.500000000e-01, v1  }
0xe4: {  	v2 =	vadd.f32 v3, v2;
	v0 =	vadd.f32 v4, v0  }
0xe5: {  	v3 =	vmax.f32 v5, $0.0e+00;
	v1 =	vmax.f32 v1, $0.0e+00  }
0xe6: {  	v1 =	vadd.f32 v1, v3;
	v0 =	vadd.f32 v2, v0;
	_ =	sdelay $0x1  }
0xe7: {  	v0 =	vadd.f32 v1, v0;
	_ =	sdelay $0x1  }
0xe8: {  	s17 =	simm.s32 $0x0;
	[tilespmem:$0x13000] =	vst v0  }
0xe9: {  	v1 =	vld [tilespmem:s17+$0x60]  }
0xea: {  	v2 =	vld [tilespmem:s17+$0x6460]  }
0xeb: {  	v3 =	vld [tilespmem:s17+$0x3260];
	_ =	sdelay $0x3  }
0xec: {  	s18 =	simm.s32 $0x80  }
0xed: {  	v4 =	vsub.f32 v2, v1;
	v5 =	vsub.f32 v1, v3;
	v1 =	vld [tilespmem:s18+$0x60]  }
0xee: {  	v2 =	vsub.f32 v3, v2;
	v3 =	vld [tilespmem:s18+$0x6460]  }
0xef: {  	v6 =	vld [tilespmem:s18+$0x3260];
	v9 =	vmul.f32 v4, v4  }
0xf0: {  	v4 =	vimm.f32 $0.0e+00;
	v7 =	vmul.f32 v5, v5;
	v8 =	vmul.f32 v2, v2  }
0xf1: {  	s17 =	simm.s32 $0x400;
	v5 =	vimm.f32 $0.0e+00;
	v2 =	vadd.f32 v9, v4  }
.LBB2_16:
0xf2: {  	s18 =	sshra.s32 s17, $0x2;
	v4 =	vadd.f32 v7, v4;
	v5 =	vadd.f32 v8, v5;
	v7 =	vmov v1;
	p1 =	sne.s32 s17, $0xC600  }
.Ltmp11:
0xf3: {  	s17 =	sadd.s32 $0x200, s17;
	v1 =	vld [tilespmem:s18+$0x60];
	v8 =	vsub.f32 v3, v7;
	(pc) =	sbr.rel @p1 .LBB2_16-.Ltmp11, $4  }
0xf4: {  	v7 =	vsub.f32 v7, v6;
	v9 =	vsub.f32 v6, v3;
	v3 =	vld [tilespmem:s18+$0x6460]  }
0xf5: {  	v6 =	vld [tilespmem:s18+$0x3260];
	v10 =	vmul.f32 v8, v8  }
0xf6: {  	v7 =	vmul.f32 v7, v7;
	v8 =	vmul.f32 v9, v9  }
0xf7: {  	v2 =	vadd.f32 v10, v2  }
0xf8: {  	_ =	sdelay $0x1  }
0xf9: {  	v9 =	vsub.f32 v1, v6  }
0xfa: {  	v6 =	vsub.f32 v6, v3  }
0xfb: {  	v4 =	vadd.f32 v7, v4;
	v7 =	vmul.f32 v9, v9  }
0xfc: {  	v5 =	vadd.f32 v8, v5;
	v1 =	vsub.f32 v3, v1;
	v3 =	vmul.f32 v6, v6  }
0xfd: {  	v4 =	vadd.f32 v7, v4  }
0xfe: {  	v1 =	vmul.f32 v1, v1;
	v3 =	vadd.f32 v3, v5  }
0xff: {  	v5 =	vsub.f32 $5.000000070e-02, v4;
	v4 =	vadd.f32 $-2.500000000e-01, v4  }
0x100: {  	v1 =	vadd.f32 v1, v2;
	v2 =	vsub.f32 $5.000000070e-02, v3  }
0x101: {  	v3 =	vadd.f32 $-2.500000000e-01, v3;
	v5 =	vmax.f32 v5, $0.0e+00;
	v4 =	vmax.f32 v4, $0.0e+00  }
0x102: {  	v2 =	vmax.f32 v2, $0.0e+00;
	v4 =	vadd.f32 v4, v5  }
0x103: {  	v3 =	vmax.f32 v3, $0.0e+00;
	v5 =	vsub.f32 $5.000000070e-02, v1;
	v1 =	vadd.f32 $-2.500000000e-01, v1  }
0x104: {  	v2 =	vadd.f32 v3, v2;
	v0 =	vadd.f32 v4, v0  }
0x105: {  	v3 =	vmax.f32 v5, $0.0e+00;
	v1 =	vmax.f32 v1, $0.0e+00  }
0x106: {  	v1 =	vadd.f32 v1, v3;
	v0 =	vadd.f32 v2, v0;
	_ =	sdelay $0x1  }
0x107: {  	v0 =	vadd.f32 v1, v0;
	_ =	sdelay $0x1  }
0x108: {  	s17 =	simm.s32 $0x0;
	[tilespmem:$0x13000] =	vst v0  }
0x109: {  	v1 =	vld [tilespmem:s17+$0x70]  }
0x10a: {  	v2 =	vld [tilespmem:s17+$0x6470]  }
0x10b: {  	v3 =	vld [tilespmem:s17+$0x3270];
	_ =	sdelay $0x3  }
0x10c: {  	s18 =	simm.s32 $0x80  }
0x10d: {  	v4 =	vsub.f32 v2, v1;
	v5 =	vsub.f32 v1, v3;
	v1 =	vld [tilespmem:s18+$0x70]  }
0x10e: {  	v2 =	vsub.f32 v3, v2;
	v3 =	vld [tilespmem:s18+$0x6470]  }
0x10f: {  	v6 =	vld [tilespmem:s18+$0x3270];
	v9 =	vmul.f32 v4, v4  }
0x110: {  	v4 =	vimm.f32 $0.0e+00;
	v7 =	vmul.f32 v5, v5;
	v8 =	vmul.f32 v2, v2  }
0x111: {  	s17 =	simm.s32 $0x400;
	v5 =	vimm.f32 $0.0e+00;
	v2 =	vadd.f32 v9, v4  }
.LBB2_18:
0x112: {  	s18 =	sshra.s32 s17, $0x2;
	v4 =	vadd.f32 v7, v4;
	v5 =	vadd.f32 v8, v5;
	v7 =	vmov v1;
	p1 =	sne.s32 s17, $0xC600  }
.Ltmp12:
0x113: {  	s17 =	sadd.s32 $0x200, s17;
	v1 =	vld [tilespmem:s18+$0x70];
	v8 =	vsub.f32 v3, v7;
	(pc) =	sbr.rel @p1 .LBB2_18-.Ltmp12, $4  }
0x114: {  	v7 =	vsub.f32 v7, v6;
	v9 =	vsub.f32 v6, v3;
	v3 =	vld [tilespmem:s18+$0x6470]  }
0x115: {  	v6 =	vld [tilespmem:s18+$0x3270];
	v10 =	vmul.f32 v8, v8  }
0x116: {  	v7 =	vmul.f32 v7, v7;
	v8 =	vmul.f32 v9, v9  }
0x117: {  	v2 =	vadd.f32 v10, v2  }
0x118: {  	_ =	sdelay $0x1  }
0x119: {  	v9 =	vsub.f32 v1, v6  }
0x11a: {  	v60 =	vsub.f32 v6, v3  }
0x11b: {  	v4 =	vadd.f32 v7, v4;
	v61 =	vmul.f32 v9, v9  }
0x11c: {  	v5 =	vadd.f32 v8, v5;
	v1 =	vsub.f32 v3, v1;
	v3 =	vmul.f32 v60, v60  }
0x11d: {  	v4 =	vadd.f32 v61, v4  }
0x11e: {  	v1 =	vmul.f32 v1, v1;
	v3 =	vadd.f32 v3, v5  }
0x11f: {  	v62 =	vsub.f32 $5.000000070e-02, v4;
	v4 =	vadd.f32 $-2.500000000e-01, v4  }
0x120: {  	v1 =	vadd.f32 v1, v2;
	v2 =	vsub.f32 $5.000000070e-02, v3  }
0x121: {  	v3 =	vadd.f32 $-2.500000000e-01, v3;
	v5 =	vmax.f32 v62, $0.0e+00;
	v4 =	vmax.f32 v4, $0.0e+00  }
0x122: {  	v63 =	vsub.f32 $5.000000070e-02, v1;
	v4 =	vadd.f32 v4, v5  }
0x123: {  	v1 =	vadd.f32 $-2.500000000e-01, v1;
	v2 =	vmax.f32 v2, $0.0e+00;
	v3 =	vmax.f32 v3, $0.0e+00  }
0x124: {  	v2 =	vadd.f32 v3, v2;
	v0 =	vadd.f32 v4, v0  }
0x125: {  	v1 =	vmax.f32 v1, $0.0e+00;
	v3 =	vmax.f32 v63, $0.0e+00  }
.Ltmp13:
0x126: {  	v1 =	vadd.f32 v1, v3;
	v0 =	vadd.f32 v2, v0;
	(pc) =	sbr.rel .LBB2_20-.Ltmp13, $3  }
0x127: {  	_ = 	snop  }
0x128: {  	v0 =	vadd.f32 v1, v0;
	_ =	sdelay $0x1  }
0x129: {  	[tilespmem:$0x13000] =	vst v0  }
.LBB2_21:
.Ltmp14:
0x12a: {  	(pc) =	sbr.rel @p0 .LBB2_27-.Ltmp14, $1  }
0x12b: {  	_ =	sdelay $0x3  }
0x12c: {  	[tilespmem:s12], [sflag:$0x1] =	stream.strided.gather [hbm4b:s5+s8], $0x9400, s9, s8, $0x38;
	[tilespmem:$0x13080] =	vst v63  }
0x12d: {  	s16 =	sadd.s32 $0x388300, s5;
	s17 =	simm.s32 $0x0  }
0x12e: {  	[tilespmem:s13], [sflag:$0x1] =	stream.linear.gather [hbm4b:s16+s17], $0x200, $0x38;
	[tilespmem:$0x13080] =	vst v63  }
0x12f: {  	_ =	swait.ge [sflag:s11], $0x9600  }
0x130: {  	[sflag:s11] =	ssyncset.done $0x0  }
0x131: {  	s30 =	simm.s32 $0x0;
	[sflag:s11] =	ssyncadd.s32 $0xFFFF6A00  }
0x132: {  	v0 =	vld [tilespmem:s30+$0x9800]  }
0x133: {  	v2 =	vld [tilespmem:s30+$0xFC00]  }
0x134: {  	v3 =	vld [tilespmem:s30+$0xCA00];
	_ =	sdelay $0x2  }
0x135: {  	s31 =	simm.s32 $0x80  }
0x136: {  	v1 =	vld [tilespmem:s31+$0x9800];
	v4 =	vsub.f32 v2, v0  }
0x137: {  	v0 =	vsub.f32 v0, v3;
	v7 =	vsub.f32 v3, v2;
	v2 =	vld [tilespmem:s31+$0xFC00]  }
0x138: {  	v5 =	vld [tilespmem:s31+$0xCA00];
	v4 =	vmul.f32 v4, v4  }
0x139: {  	v3 =	vimm.f32 $0.0e+00;
	v6 =	vmul.f32 v0, v0;
	v7 =	vmul.f32 v7, v7  }
0x13a: {  	s16 =	simm.s32 $0x400;
	v0 =	vadd.f32 v4, v3;
	v4 =	vimm.f32 $0.0e+00  }
.LBB2_23:
0x13b: {  	s17 =	sshra.s32 s16, $0x2;
	v3 =	vadd.f32 v6, v3;
	v4 =	vadd.f32 v7, v4;
	v6 =	vmov v1;
	p1 =	sne.s32 s16, $0xC600  }
.Ltmp15:
0x13c: {  	s16 =	sadd.s32 $0x200, s16;
	v1 =	vld [tilespmem:s17+$0x9800];
	v7 =	vsub.f32 v2, v6;
	(pc) =	sbr.rel @p1 .LBB2_23-.Ltmp15, $4  }
0x13d: {  	v6 =	vsub.f32 v6, v5;
	v8 =	vsub.f32 v5, v2;
	v2 =	vld [tilespmem:s17+$0xFC00]  }
0x13e: {  	v5 =	vld [tilespmem:s17+$0xCA00];
	v9 =	vmul.f32 v7, v7  }
0x13f: {  	v6 =	vmul.f32 v6, v6;
	v7 =	vmul.f32 v8, v8  }
0x140: {  	v0 =	vadd.f32 v9, v0  }
0x141: {  	_ =	sdelay $0x1  }
0x142: {  	v8 =	vsub.f32 v1, v5  }
0x143: {  	v5 =	vsub.f32 v5, v2  }
0x144: {  	v3 =	vadd.f32 v6, v3;
	v6 =	vmul.f32 v8, v8  }
0x145: {  	v4 =	vadd.f32 v7, v4;
	v1 =	vsub.f32 v2, v1;
	v2 =	vmul.f32 v5, v5  }
0x146: {  	v3 =	vadd.f32 v6, v3  }
0x147: {  	v1 =	vmul.f32 v1, v1;
	v2 =	vadd.f32 v2, v4  }
0x148: {  	v4 =	vld [tilespmem:$0x13000];
	v5 =	vsub.f32 $5.000000070e-02, v3;
	v3 =	vadd.f32 $-2.500000000e-01, v3  }
0x149: {  	v0 =	vadd.f32 v1, v0;
	v1 =	vsub.f32 $5.000000070e-02, v2  }
0x14a: {  	v2 =	vadd.f32 $-2.500000000e-01, v2;
	v5 =	vmax.f32 v5, $0.0e+00;
	v3 =	vmax.f32 v3, $0.0e+00  }
0x14b: {  	v1 =	vmax.f32 v1, $0.0e+00;
	v3 =	vadd.f32 v3, v5  }
0x14c: {  	v2 =	vmax.f32 v2, $0.0e+00;
	v5 =	vsub.f32 $5.000000070e-02, v0;
	v0 =	vadd.f32 $-2.500000000e-01, v0  }
0x14d: {  	v1 =	vadd.f32 v2, v1;
	v3 =	vadd.f32 v4, v3  }
0x14e: {  	v2 =	vmax.f32 v5, $0.0e+00;
	v0 =	vmax.f32 v0, $0.0e+00  }
0x14f: {  	v0 =	vadd.f32 v0, v2;
	v1 =	vadd.f32 v3, v1;
	_ =	sdelay $0x1  }
0x150: {  	v0 =	vadd.f32 v1, v0;
	_ =	sdelay $0x1  }
0x151: {  	s16 =	simm.s32 $0x0;
	[tilespmem:$0x13000] =	vst v0  }
0x152: {  	v1 =	vld [tilespmem:s16+$0x9810]  }
0x153: {  	v2 =	vld [tilespmem:s16+$0xFC10]  }
0x154: {  	v3 =	vld [tilespmem:s16+$0xCA10];
	_ =	sdelay $0x3  }
0x155: {  	s17 =	simm.s32 $0x80  }
0x156: {  	v4 =	vsub.f32 v2, v1;
	v5 =	vsub.f32 v1, v3;
	v1 =	vld [tilespmem:s17+$0x9810]  }
0x157: {  	v2 =	vsub.f32 v3, v2;
	v3 =	vld [tilespmem:s17+$0xFC10]  }
0x158: {  	v6 =	vld [tilespmem:s17+$0xCA10];
	v9 =	vmul.f32 v4, v4  }
0x159: {  	v4 =	vimm.f32 $0.0e+00;
	v7 =	vmul.f32 v5, v5;
	v8 =	vmul.f32 v2, v2  }
0x15a: {  	s16 =	simm.s32 $0x400;
	v5 =	vimm.f32 $0.0e+00;
	v2 =	vadd.f32 v9, v4  }
.LBB2_25:
0x15b: {  	s17 =	sshra.s32 s16, $0x2;
	v4 =	vadd.f32 v7, v4;
	v5 =	vadd.f32 v8, v5;
	v7 =	vmov v1;
	p1 =	sne.s32 s16, $0xC600  }
.Ltmp16:
0x15c: {  	s16 =	sadd.s32 $0x200, s16;
	v1 =	vld [tilespmem:s17+$0x9810];
	v8 =	vsub.f32 v3, v7;
	(pc) =	sbr.rel @p1 .LBB2_25-.Ltmp16, $4  }
0x15d: {  	v7 =	vsub.f32 v7, v6;
	v9 =	vsub.f32 v6, v3;
	v3 =	vld [tilespmem:s17+$0xFC10]  }
0x15e: {  	v6 =	vld [tilespmem:s17+$0xCA10];
	v10 =	vmul.f32 v8, v8  }
0x15f: {  	v7 =	vmul.f32 v7, v7;
	v8 =	vmul.f32 v9, v9  }
0x160: {  	v2 =	vadd.f32 v10, v2  }
0x161: {  	_ =	sdelay $0x1  }
0x162: {  	v9 =	vsub.f32 v1, v6  }
0x163: {  	v60 =	vsub.f32 v6, v3  }
0x164: {  	v4 =	vadd.f32 v7, v4;
	v61 =	vmul.f32 v9, v9  }
0x165: {  	v5 =	vadd.f32 v8, v5;
	v1 =	vsub.f32 v3, v1;
	v3 =	vmul.f32 v60, v60  }
0x166: {  	v4 =	vadd.f32 v61, v4  }
0x167: {  	v1 =	vmul.f32 v1, v1;
	v3 =	vadd.f32 v3, v5  }
0x168: {  	v62 =	vsub.f32 $5.000000070e-02, v4;
	v4 =	vadd.f32 $-2.500000000e-01, v4  }
0x169: {  	v1 =	vadd.f32 v1, v2;
	v2 =	vsub.f32 $5.000000070e-02, v3  }
0x16a: {  	v3 =	vadd.f32 $-2.500000000e-01, v3;
	v5 =	vmax.f32 v62, $0.0e+00;
	v4 =	vmax.f32 v4, $0.0e+00  }
0x16b: {  	v63 =	vsub.f32 $5.000000070e-02, v1;
	v4 =	vadd.f32 v4, v5  }
0x16c: {  	v1 =	vadd.f32 $-2.500000000e-01, v1;
	v2 =	vmax.f32 v2, $0.0e+00;
	v3 =	vmax.f32 v3, $0.0e+00  }
0x16d: {  	v2 =	vadd.f32 v3, v2;
	v0 =	vadd.f32 v4, v0  }
.Ltmp17:
0x16e: {  	v1 =	vmax.f32 v1, $0.0e+00;
	v3 =	vmax.f32 v63, $0.0e+00;
	(pc) =	sbr.rel .LBB2_27-.Ltmp17, $2  }
0x16f: {  	v1 =	vadd.f32 v1, v3;
	v0 =	vadd.f32 v2, v0;
	_ =	sdelay $0x1  }
0x170: {  	v0 =	vadd.f32 v1, v0;
	_ =	sdelay $0x1  }
.LBB2_28:
0x171: {  	_ =	sfence.sel $0x180000  }
0x172: {  	[bflag:$0x0] =	sbarrier.arrive $0xFFFF  }
0x173: {  	p0 =	sne.s32 s1, $0x0;
	_ =	strace $0x90000047  }
0x174: {  	s0 =	sadd.s32 @!p0 $0x100000, s0;
	[bflag:$0x2] =	sbarrier.arrive $0xFFFF  }
0x175: {  	[sflag:s0] =	ssyncadd.tile.s32 @!p0 $0x1;
	_ =	shalt  }
.Lfunc_end2:
_tile_overlayer_lowered:
.L_overlay_start_2:
0x176: {  	(tag) =	ssettag $0x2  }
0x177: {  	s0 =	rddreg [dreg:$0x0];
	s2 =	stileid.u32  }
0x178: {  	s1 =	rddreg [dreg:$0x1];
	p0 =	sne.s32 s2, $0x0  }
0x179: {  	s3 =	rddreg [dreg:$0x2];
	[bflag:$0x3] =	sbarrier.arrive $0xFFFF;
	s2 =	simm.s32 @!p0 $0x1C01  }
0x17a: {  	[timem:s3], [sflag:s2] =	dma.local @!p0 [hbm:s0], s1  }
0x17b: {  	s0 =	simm.s32 @!p0 $0x1  }
0x17c: {  	_ =	swait.ge @!p0 [sflag:s0], s1  }
0x17d: {  	s1 =	ssub.s32 @!p0 $0x0, s1;
	[sflag:s0] =	ssyncset.done @!p0 $0x0  }
0x17e: {  	[sflag:s0] =	ssyncadd.s32 @!p0 s1  }
0x17f: {  	[bflag:$0x3] =	sbarrier.arrive $0xFFFF  }
0x180: {  	_ =	shalt  }

</sc_bundles>
